<compile_context>
chip_gen: v7x
topology: tpu7x:2x2x1
jax: 0.10.2.dev20260603
libtpu: 0.0.44.dev20260713+nightly
codegen_flags: <defaults>
</compile_context>

<pallas_src>
import functools

import jax
import jax.numpy as jnp
from jax import lax
from jax.experimental import pallas as pl
from jax.experimental.pallas import tpu as pltpu
from jax.experimental.pallas import tpu_sc as plsc


def _log_sigmoid(x):
    return jnp.minimum(x, 0.0) - jnp.log1p(jnp.exp(-jnp.abs(x)))


def _focal(logp):
    p = jnp.exp(logp)
    return -0.25 * (1.0 - p) ** 2 * logp


def _ce_cut_body(logits_ref, cut_ref, tlabels_ref, tcut_ref, src_ref,
                 tgt_ref, out_ref, *, B, Q, C1, N):
    num_classes = C1 - 1
    b = pl.program_id(0)

    logits = logits_ref[0]
    exp_x = jnp.exp(logits)
    ones_c = jnp.ones((C1, 1), jnp.float32)
    s = jnp.dot(exp_x, ones_c, preferred_element_type=jnp.float32)
    log_s = jnp.log(s)

    x255 = logits[:, num_classes:C1]
    ce0_sum = jnp.sum(_focal(x255 - log_s))

    src2 = src_ref[pl.ds(b, 1), :]
    tgt2 = tgt_ref[pl.ds(b, 1), :]
    tlabels2 = tlabels_ref[pl.ds(b, 1), :].astype(jnp.float32)
    tcut2 = tcut_ref[pl.ds(b, 1), :].astype(jnp.float32)
    cut_row = cut_ref[pl.ds(b, 1), :]

    tgt_ohT = (jax.lax.broadcasted_iota(jnp.int32, (N, N), 0)
               == tgt2).astype(jnp.float32)
    labels_m = jnp.dot(tlabels2, tgt_ohT,
                       preferred_element_type=jnp.float32)
    tgt_cut_m = jnp.dot(tcut2, tgt_ohT,
                        preferred_element_type=jnp.float32)

    matchf = (jax.lax.broadcasted_iota(jnp.int32, (Q, N), 0)
              == src2).astype(jnp.float32)

    lab_ohT = (jax.lax.broadcasted_iota(jnp.int32, (C1, N), 0)
               == labels_m.astype(jnp.int32)).astype(jnp.float32)
    l_cols = jnp.dot(logits, lab_ohT,
                     preferred_element_type=jnp.float32)
    x_t = jnp.sum(matchf * l_cols, axis=0, keepdims=True)
    x255_m = jnp.sum(matchf * x255, axis=0, keepdims=True)
    log_s_m = jnp.log(jnp.sum(matchf * s, axis=0, keepdims=True))
    valid = jnp.concatenate(
        [(src2[:, 1:] != src2[:, :-1]).astype(jnp.float32),
         jnp.ones((1, 1), jnp.float32)], axis=1)
    ce_corr = jnp.sum(valid * (_focal(x_t - log_s_m)
                               - _focal(x255_m - log_s_m)))

    src_cut = jnp.dot(cut_row, matchf,
                      preferred_element_type=jnp.float32)
    cut_sum = jnp.sum(-(10.0 * tgt_cut_m * _log_sigmoid(src_cut)
                        + (1.0 - tgt_cut_m) * _log_sigmoid(-src_cut)))

    part = ((ce0_sum + ce_corr) / (B * Q)
            + 2.0 * cut_sum / (B * N)).reshape(1, 1)

    @pl.when(b == 0)
    def _():
        out_ref[:, :] = part

    @pl.when(b != 0)
    def _():
        out_ref[:, :] = out_ref[:, :] + part


def _bbox_body(pbf_ref, tbf_ref, gsrc_ref, gtgt_ref, out_ref,
               qi_v, ji_v, sb_v, tb_v, acc_v, all_v, shared, sem,
               *, B, N, NPAD, scale):
    sid0 = lax.axis_index("s")

    lane = lax.iota(jnp.int32, 16)
    acc = jnp.zeros((16,), jnp.float32)
    for half in range(2):
        wid = sid0 * 2 + half
        pltpu.sync_copy(gsrc_ref.at[wid], qi_v)
        pltpu.sync_copy(gtgt_ref.at[wid], ji_v)
        copies = []
        for k in range(4):
            copies.append(
                pltpu.async_copy(pbf_ref.at[qi_v.at[k]], sb_v.at[k], sem))
            copies.append(
                pltpu.async_copy(tbf_ref.at[ji_v.at[k]], tb_v.at[k], sem))
        for cp in copies:
            cp.wait()
        for c in range(NPAD // 16):
            mask = (lane + (c * 16)) < N
            for k in range(4):
                sb = sb_v[k, pl.ds(c * 16, 16)]
                tb = tb_v[k, pl.ds(c * 16, 16)]
                acc = acc + jnp.where(mask, jnp.abs(sb - tb), 0.0)

    sid = lax.axis_index("s")
    cid = lax.axis_index("c")
    acc_v[...] = acc * scale
    pltpu.sync_copy(acc_v, shared.at[pl.ds(sid * 16, 16)])
    plsc.subcore_barrier()

    @pl.when(sid == 0)
    def _():
        pltpu.sync_copy(shared, all_v)
        tot = all_v[pl.ds(0, 16)]
        for r in range(1, 16):
            tot = tot + all_v[pl.ds(r * 16, 16)]
        acc_v[...] = tot
        pltpu.sync_copy(acc_v, out_ref.at[cid])


@jax.jit
def kernel(pred_logits, pred_boxes, pred_cutting, target_boxes, target_labels,
           target_cutting, src_idx, tgt_idx):
    B, Q, C1 = pred_logits.shape
    N = src_idx.shape[1]
    NPAD = 64

    pbf = pred_boxes.reshape(B * Q * 4)
    tbf = target_boxes.reshape(B * N * 4)
    bids = jnp.arange(B, dtype=jnp.int32)[:, None]
    k4 = jnp.arange(4, dtype=jnp.int32)[None, :, None]
    gsrc = jnp.pad((bids * Q + src_idx.astype(jnp.int32)) * 4,
                   ((0, 0), (0, NPAD - N)))[:, None, :] + k4
    gtgt = jnp.pad((bids * N + tgt_idx.astype(jnp.int32)) * 4,
                   ((0, 0), (0, NPAD - N)))[:, None, :] + k4

    sc_kernel = functools.partial(
        pl.kernel,
        mesh=plsc.VectorSubcoreMesh(core_axis_name="c", subcore_axis_name="s", num_cores=1),
        out_type=jax.ShapeDtypeStruct((1, 16), jnp.float32),
        scratch_types=[
            pltpu.VMEM((4, NPAD), jnp.int32),
            pltpu.VMEM((4, NPAD), jnp.int32),
            pltpu.VMEM((4, NPAD), jnp.float32),
            pltpu.VMEM((4, NPAD), jnp.float32),
            pltpu.VMEM((16,), jnp.float32),
            pltpu.VMEM((256,), jnp.float32),
            pltpu.VMEM_SHARED((256,), jnp.float32),
            pltpu.SemaphoreType.DMA,
        ],
    )(functools.partial(_bbox_body, B=B, N=N, NPAD=NPAD,
                        scale=5.0 / (B * N * 4)))
    bbox2x16 = sc_kernel(pbf, tbf, gsrc, gtgt)

    ce_cut = pl.pallas_call(
        functools.partial(_ce_cut_body, B=B, Q=Q, C1=C1, N=N),
        grid=(B,),
        in_specs=[
            pl.BlockSpec((1, Q, C1), lambda b: (b, 0, 0)),
            pl.BlockSpec((B, Q), lambda b: (0, 0)),
            pl.BlockSpec((B, N), lambda b: (0, 0)),
            pl.BlockSpec((B, N), lambda b: (0, 0)),
            pl.BlockSpec((B, N), lambda b: (0, 0)),
            pl.BlockSpec((B, N), lambda b: (0, 0)),
        ],
        out_specs=pl.BlockSpec((1, 1), lambda b: (0, 0)),
        out_shape=jax.ShapeDtypeStruct((1, 1), jnp.float32),
    )(pred_logits, pred_cutting, target_labels, target_cutting,
      src_idx, tgt_idx)

    return ce_cut.reshape(()) + jnp.sum(bbox2x16)

# --- scband reference (transcript-rebuilt; emitter-appended) ---
"""Pipeline reference for scband-detection-criterion-1082331758890 (READ-ONLY COPY).

The authoritative reference and input builder live on the scoring server;
editing this copy changes nothing except your own understanding.
"""

import jax, jax.numpy as jnp
import numpy as np

def setup_inputs(seed: int = 0) -> dict:
    key = jax.random.key(seed)
    ks = jax.random.split(key, 8)
    B, Q, C1, N = 32, 900, 256, 50
    return {
        "pred_logits": jax.random.normal(ks[0], (B, Q, C1), dtype=jnp.float32),
        "pred_boxes": jax.random.uniform(ks[1], (B, Q, 4), dtype=jnp.float32),
        "pred_cutting": jax.random.normal(ks[2], (B, Q), dtype=jnp.float32),
        "target_boxes": jax.random.uniform(ks[3], (B, N, 4), dtype=jnp.float32),
        "target_labels": jax.random.randint(ks[4], (B, N), 0, 255),
        "target_cutting": jax.random.randint(ks[5], (B, N), 0, 2),
        "src_idx": jnp.sort(jax.random.randint(ks[6], (B, N), 0, Q), axis=-1),
        "tgt_idx": jax.random.randint(ks[7], (B, N), 0, N),
    }

def reference(pred_logits, pred_boxes, pred_cutting, target_boxes, target_labels, target_cutting, src_idx, tgt_idx):
    B, Q, C1 = pred_logits.shape
    num_classes = C1 - 1
    N = src_idx.shape[1]
    bids = jnp.broadcast_to(jnp.arange(B)[:, None], (B, N))
    # build target_classes: default = no-object class, scatter matched labels
    labels_m = jnp.take_along_axis(target_labels, tgt_idx, axis=1)
    target_classes = jnp.full((B, Q), num_classes, dtype=jnp.int32)
    target_classes = target_classes.at[bids, src_idx].set(labels_m.astype(jnp.int32))
    # focal loss (alpha=0.25, gamma=2.0) over flattened logits
    logits_f = pred_logits.reshape(B * Q, C1)
    tc_f = target_classes.reshape(B * Q)
    logp = jax.nn.log_softmax(logits_f, axis=-1)
    logp_t = jnp.take_along_axis(logp, tc_f[:, None], axis=1)[:, 0]
    p_t = jnp.exp(logp_t)
    alpha, gamma = 0.25, 2.0
    loss_ce = jnp.mean(-alpha * (1.0 - p_t) ** gamma * logp_t)
    # L1 box loss on matched pairs
    src_boxes = pred_boxes[bids, src_idx]
    tgt_boxes_m = jnp.take_along_axis(target_boxes, tgt_idx[:, :, None], axis=1)
    loss_bbox = jnp.mean(jnp.abs(src_boxes - tgt_boxes_m))
    # BCEWithLogits (pos_weight=10.0) on matched cutting flags
    src_cut = pred_cutting[bids, src_idx]
    tgt_cut = jnp.take_along_axis(target_cutting, tgt_idx, axis=1).astype(jnp.float32)
    pos_weight = 10.0
    loss_cut = jnp.mean(-(pos_weight * tgt_cut * jax.nn.log_sigmoid(src_cut) + (1.0 - tgt_cut) * jax.nn.log_sigmoid(-src_cut)))
    loss = 1.0 * loss_ce + 5.0 * loss_bbox + 2.0 * loss_cut
    return loss

if __name__ == "__main__":
    import jax
    _d = setup_inputs()
    print(jax.jit(kernel)(*tuple(_d.values())))

</pallas_src>

<mosaic_0001>
#map = affine_map<(d0, d1) -> (0)>
#map1 = affine_map<(d0, d1) -> (0, 0, 0)>
#map2 = affine_map<(d0, d1) -> (0, 0)>
module attributes {stable_mosaic.version = 14 : i64} {
  func.func @_bbox_body(%arg0: i32, %arg1: i32, %arg2: memref<115200xf32, #tpu.memory_space<hbm>>, %arg3: memref<6400xf32, #tpu.memory_space<hbm>>, %arg4: memref<32x4x64xi32, #tpu.memory_space<hbm>>, %arg5: memref<32x4x64xi32, #tpu.memory_space<hbm>>, %arg6: memref<1x16xf32, #tpu.memory_space<hbm>>, %arg7: memref<4x64xi32, #tpu.memory_space<vmem>>, %arg8: memref<4x64xi32, #tpu.memory_space<vmem>>, %arg9: memref<4x64xf32, #tpu.memory_space<vmem>>, %arg10: memref<4x64xf32, #tpu.memory_space<vmem>>, %arg11: memref<16xf32, #tpu.memory_space<vmem>>, %arg12: memref<256xf32, #tpu.memory_space<vmem>>, %arg13: memref<256xf32, #tpu.memory_space<vmem_shared>>, %arg14: memref<!tpu.dma_semaphore, #tpu.memory_space<semaphore_mem>>) attributes {dimension_semantics = [#tpu.dimension_semantics<core_parallel>, #tpu.dimension_semantics<subcore_parallel>], iteration_bounds = array<i64: 1, 16>, scalar_prefetch = 0 : i64, scratch_operands = 8 : i64, tpu.core_type = #tpu.core_type<sc_vector_subcore>, window_params = [{transform_indices = #map}, {transform_indices = #map}, {transform_indices = #map1}, {transform_indices = #map1}, {transform_indices = #map2}]} {
    %iota3A = tpu.iota {dimensions = array<i32: 0>} : vector<16xi32>
    %broadcast_in_dim3A = arith.constant 0.000000e+00 : f32
    %broadcast_in_dim3A_0 = vector.broadcast %broadcast_in_dim3A : f32 to vector<16xf32>
    %mul3A = arith.constant 2 : i32
    %mul3A_1 = arith.muli %arg1, %mul3A : i32
    %add3A = arith.constant 0 : i32
    %add3A_2 = arith.addi %mul3A_1, %add3A : i32
    "tpu.region"() ({
      %run_scoped3A = tpu.sem_alloc : memref<!tpu.dma_semaphore, #tpu.memory_space<semaphore_mem>>
      %dma_start3A_889 = arith.constant 0 : i32
      %dma_start3A_890 = arith.constant 0 : i32
      %dma_start3A_891 = tpu.memref_slice %arg4[%add3A_2, %dma_start3A_889, %dma_start3A_890] : memref<32x4x64xi32, #tpu.memory_space<hbm>> -> memref<1x4x64xi32, #tpu.memory_space<hbm>>
      %dma_start3A_892 = tpu.memref_squeeze %dma_start3A_891 : memref<1x4x64xi32, #tpu.memory_space<hbm>> -> memref<4x64xi32, #tpu.memory_space<hbm>>
      %dma_start3A_893 = arith.constant 0 : i32
      %dma_start3A_894 = arith.constant 0 : i32
      %dma_start3A_895 = tpu.memref_slice %arg4[%add3A_2, %dma_start3A_893, %dma_start3A_894] : memref<32x4x64xi32, #tpu.memory_space<hbm>> -> memref<1x4x64xi32, #tpu.memory_space<hbm>>
      %dma_start3A_896 = tpu.memref_squeeze %dma_start3A_895 : memref<1x4x64xi32, #tpu.memory_space<hbm>> -> memref<4x64xi32, #tpu.memory_space<hbm>>
      tpu.enqueue_dma source(%dma_start3A_896 : memref<4x64xi32, #tpu.memory_space<hbm>>) target(%arg7 : memref<4x64xi32, #tpu.memory_space<vmem>>) target_semaphore(%run_scoped3A : memref<!tpu.dma_semaphore, #tpu.memory_space<semaphore_mem>>)
      %dma_wait3A_897 = arith.constant 0 : i32
      %dma_wait3A_898 = arith.constant 0 : i32
      %dma_wait3A_899 = tpu.memref_slice %arg4[%add3A_2, %dma_wait3A_897, %dma_wait3A_898] : memref<32x4x64xi32, #tpu.memory_space<hbm>> -> memref<1x4x64xi32, #tpu.memory_space<hbm>>
      %dma_wait3A_900 = tpu.memref_squeeze %dma_wait3A_899 : memref<1x4x64xi32, #tpu.memory_space<hbm>> -> memref<4x64xi32, #tpu.memory_space<hbm>>
      %dma_wait3A_901 = arith.constant 0 : i32
      %dma_wait3A_902 = arith.constant 0 : i32
      %dma_wait3A_903 = tpu.memref_slice %arg4[%add3A_2, %dma_wait3A_901, %dma_wait3A_902] : memref<32x4x64xi32, #tpu.memory_space<hbm>> -> memref<1x4x64xi32, #tpu.memory_space<hbm>>
      %dma_wait3A_904 = tpu.memref_squeeze %dma_wait3A_903 : memref<1x4x64xi32, #tpu.memory_space<hbm>> -> memref<4x64xi32, #tpu.memory_space<hbm>>
      tpu.wait_dma2 semaphore(%run_scoped3A : memref<!tpu.dma_semaphore, #tpu.memory_space<semaphore_mem>>) src(%dma_wait3A_904 : memref<4x64xi32, #tpu.memory_space<hbm>>) dst(%arg7 : memref<4x64xi32, #tpu.memory_space<vmem>>)
      tpu.yield
    }) : () -> ()
    "tpu.region"() ({
      %run_scoped3A = tpu.sem_alloc : memref<!tpu.dma_semaphore, #tpu.memory_space<semaphore_mem>>
      %dma_start3A_889 = arith.constant 0 : i32
      %dma_start3A_890 = arith.constant 0 : i32
      %dma_start3A_891 = tpu.memref_slice %arg5[%add3A_2, %dma_start3A_889, %dma_start3A_890] : memref<32x4x64xi32, #tpu.memory_space<hbm>> -> memref<1x4x64xi32, #tpu.memory_space<hbm>>
      %dma_start3A_892 = tpu.memref_squeeze %dma_start3A_891 : memref<1x4x64xi32, #tpu.memory_space<hbm>> -> memref<4x64xi32, #tpu.memory_space<hbm>>
      %dma_start3A_893 = arith.constant 0 : i32
      %dma_start3A_894 = arith.constant 0 : i32
      %dma_start3A_895 = tpu.memref_slice %arg5[%add3A_2, %dma_start3A_893, %dma_start3A_894] : memref<32x4x64xi32, #tpu.memory_space<hbm>> -> memref<1x4x64xi32, #tpu.memory_space<hbm>>
      %dma_start3A_896 = tpu.memref_squeeze %dma_start3A_895 : memref<1x4x64xi32, #tpu.memory_space<hbm>> -> memref<4x64xi32, #tpu.memory_space<hbm>>
      tpu.enqueue_dma source(%dma_start3A_896 : memref<4x64xi32, #tpu.memory_space<hbm>>) target(%arg8 : memref<4x64xi32, #tpu.memory_space<vmem>>) target_semaphore(%run_scoped3A : memref<!tpu.dma_semaphore, #tpu.memory_space<semaphore_mem>>)
      %dma_wait3A_897 = arith.constant 0 : i32
      %dma_wait3A_898 = arith.constant 0 : i32
      %dma_wait3A_899 = tpu.memref_slice %arg5[%add3A_2, %dma_wait3A_897, %dma_wait3A_898] : memref<32x4x64xi32, #tpu.memory_space<hbm>> -> memref<1x4x64xi32, #tpu.memory_space<hbm>>
      %dma_wait3A_900 = tpu.memref_squeeze %dma_wait3A_899 : memref<1x4x64xi32, #tpu.memory_space<hbm>> -> memref<4x64xi32, #tpu.memory_space<hbm>>
      %dma_wait3A_901 = arith.constant 0 : i32
      %dma_wait3A_902 = arith.constant 0 : i32
      %dma_wait3A_903 = tpu.memref_slice %arg5[%add3A_2, %dma_wait3A_901, %dma_wait3A_902] : memref<32x4x64xi32, #tpu.memory_space<hbm>> -> memref<1x4x64xi32, #tpu.memory_space<hbm>>
      %dma_wait3A_904 = tpu.memref_squeeze %dma_wait3A_903 : memref<1x4x64xi32, #tpu.memory_space<hbm>> -> memref<4x64xi32, #tpu.memory_space<hbm>>
      tpu.wait_dma2 semaphore(%run_scoped3A : memref<!tpu.dma_semaphore, #tpu.memory_space<semaphore_mem>>) src(%dma_wait3A_904 : memref<4x64xi32, #tpu.memory_space<hbm>>) dst(%arg8 : memref<4x64xi32, #tpu.memory_space<vmem>>)
      tpu.yield
    }) : () -> ()
    %dma_start3A = arith.constant 0 : i32
    %dma_start3A_3 = arith.constant 0 : i32
    %dma_start3A_4 = arith.constant 0 : i32
    %dma_start3A_5 = tpu.memref_slice %arg9[%dma_start3A_3, %dma_start3A_4] : memref<4x64xf32, #tpu.memory_space<vmem>> -> memref<1x64xf32, #tpu.memory_space<vmem>>
    %dma_start3A_6 = tpu.memref_squeeze %dma_start3A_5 : memref<1x64xf32, #tpu.memory_space<vmem>> -> memref<64xf32, #tpu.memory_space<vmem>>
    %dma_start3A_7 = arith.constant 0 : i32
    %dma_start3A_8 = tpu.memref_slice %arg7[%dma_start3A, %dma_start3A_7] : memref<4x64xi32, #tpu.memory_space<vmem>> -> memref<1x64xi32, #tpu.memory_space<vmem>>
    %dma_start3A_9 = tpu.memref_squeeze %dma_start3A_8 : memref<1x64xi32, #tpu.memory_space<vmem>> -> memref<64xi32, #tpu.memory_space<vmem>>
    %dma_start3A_10 = arith.constant 0 : i32
    %dma_start3A_11 = tpu.memref_slice %arg2[%dma_start3A_10] : memref<115200xf32, #tpu.memory_space<hbm>> -> memref<115200xf32, #tpu.memory_space<hbm>>
    tpu.enqueue_indirect_dma source(%dma_start3A_11 : memref<115200xf32, #tpu.memory_space<hbm>>) target(%dma_start3A_6 : memref<64xf32, #tpu.memory_space<vmem>>) offsets(%dma_start3A_9 : memref<64xi32, #tpu.memory_space<vmem>>) semaphore(%arg14 : memref<!tpu.dma_semaphore, #tpu.memory_space<semaphore_mem>>)
    %dma_start3A_12 = arith.constant 0 : i32
    %dma_start3A_13 = arith.constant 0 : i32
    %dma_start3A_14 = arith.constant 0 : i32
    %dma_start3A_15 = tpu.memref_slice %arg10[%dma_start3A_13, %dma_start3A_14] : memref<4x64xf32, #tpu.memory_space<vmem>> -> memref<1x64xf32, #tpu.memory_space<vmem>>
    %dma_start3A_16 = tpu.memref_squeeze %dma_start3A_15 : memref<1x64xf32, #tpu.memory_space<vmem>> -> memref<64xf32, #tpu.memory_space<vmem>>
    %dma_start3A_17 = arith.constant 0 : i32
    %dma_start3A_18 = tpu.memref_slice %arg8[%dma_start3A_12, %dma_start3A_17] : memref<4x64xi32, #tpu.memory_space<vmem>> -> memref<1x64xi32, #tpu.memory_space<vmem>>
    %dma_start3A_19 = tpu.memref_squeeze %dma_start3A_18 : memref<1x64xi32, #tpu.memory_space<vmem>> -> memref<64xi32, #tpu.memory_space<vmem>>
    %dma_start3A_20 = arith.constant 0 : i32
    %dma_start3A_21 = tpu.memref_slice %arg3[%dma_start3A_20] : memref<6400xf32, #tpu.memory_space<hbm>> -> memref<6400xf32, #tpu.memory_space<hbm>>
    tpu.enqueue_indirect_dma source(%dma_start3A_21 : memref<6400xf32, #tpu.memory_space<hbm>>) target(%dma_start3A_16 : memref<64xf32, #tpu.memory_space<vmem>>) offsets(%dma_start3A_19 : memref<64xi32, #tpu.memory_space<vmem>>) semaphore(%arg14 : memref<!tpu.dma_semaphore, #tpu.memory_space<semaphore_mem>>)
    %dma_start3A_22 = arith.constant 1 : i32
    %dma_start3A_23 = arith.constant 1 : i32
    %dma_start3A_24 = arith.constant 0 : i32
    %dma_start3A_25 = tpu.memref_slice %arg9[%dma_start3A_23, %dma_start3A_24] : memref<4x64xf32, #tpu.memory_space<vmem>> -> memref<1x64xf32, #tpu.memory_space<vmem>>
    %dma_start3A_26 = tpu.memref_squeeze %dma_start3A_25 : memref<1x64xf32, #tpu.memory_space<vmem>> -> memref<64xf32, #tpu.memory_space<vmem>>
    %dma_start3A_27 = arith.constant 0 : i32
    %dma_start3A_28 = tpu.memref_slice %arg7[%dma_start3A_22, %dma_start3A_27] : memref<4x64xi32, #tpu.memory_space<vmem>> -> memref<1x64xi32, #tpu.memory_space<vmem>>
    %dma_start3A_29 = tpu.memref_squeeze %dma_start3A_28 : memref<1x64xi32, #tpu.memory_space<vmem>> -> memref<64xi32, #tpu.memory_space<vmem>>
    %dma_start3A_30 = arith.constant 0 : i32
    %dma_start3A_31 = tpu.memref_slice %arg2[%dma_start3A_30] : memref<115200xf32, #tpu.memory_space<hbm>> -> memref<115200xf32, #tpu.memory_space<hbm>>
    tpu.enqueue_indirect_dma source(%dma_start3A_31 : memref<115200xf32, #tpu.memory_space<hbm>>) target(%dma_start3A_26 : memref<64xf32, #tpu.memory_space<vmem>>) offsets(%dma_start3A_29 : memref<64xi32, #tpu.memory_space<vmem>>) semaphore(%arg14 : memref<!tpu.dma_semaphore, #tpu.memory_space<semaphore_mem>>)
    %dma_start3A_32 = arith.constant 1 : i32
    %dma_start3A_33 = arith.constant 1 : i32
    %dma_start3A_34 = arith.constant 0 : i32
    %dma_start3A_35 = tpu.memref_slice %arg10[%dma_start3A_33, %dma_start3A_34] : memref<4x64xf32, #tpu.memory_space<vmem>> -> memref<1x64xf32, #tpu.memory_space<vmem>>
    %dma_start3A_36 = tpu.memref_squeeze %dma_start3A_35 : memref<1x64xf32, #tpu.memory_space<vmem>> -> memref<64xf32, #tpu.memory_space<vmem>>
    %dma_start3A_37 = arith.constant 0 : i32
    %dma_start3A_38 = tpu.memref_slice %arg8[%dma_start3A_32, %dma_start3A_37] : memref<4x64xi32, #tpu.memory_space<vmem>> -> memref<1x64xi32, #tpu.memory_space<vmem>>
    %dma_start3A_39 = tpu.memref_squeeze %dma_start3A_38 : memref<1x64xi32, #tpu.memory_space<vmem>> -> memref<64xi32, #tpu.memory_space<vmem>>
    %dma_start3A_40 = arith.constant 0 : i32
    %dma_start3A_41 = tpu.memref_slice %arg3[%dma_start3A_40] : memref<6400xf32, #tpu.memory_space<hbm>> -> memref<6400xf32, #tpu.memory_space<hbm>>
    tpu.enqueue_indirect_dma source(%dma_start3A_41 : memref<6400xf32, #tpu.memory_space<hbm>>) target(%dma_start3A_36 : memref<64xf32, #tpu.memory_space<vmem>>) offsets(%dma_start3A_39 : memref<64xi32, #tpu.memory_space<vmem>>) semaphore(%arg14 : memref<!tpu.dma_semaphore, #tpu.memory_space<semaphore_mem>>)
    %dma_start3A_42 = arith.constant 2 : i32
    %dma_start3A_43 = arith.constant 2 : i32
    %dma_start3A_44 = arith.constant 0 : i32
    %dma_start3A_45 = tpu.memref_slice %arg9[%dma_start3A_43, %dma_start3A_44] : memref<4x64xf32, #tpu.memory_space<vmem>> -> memref<1x64xf32, #tpu.memory_space<vmem>>
    %dma_start3A_46 = tpu.memref_squeeze %dma_start3A_45 : memref<1x64xf32, #tpu.memory_space<vmem>> -> memref<64xf32, #tpu.memory_space<vmem>>
    %dma_start3A_47 = arith.constant 0 : i32
    %dma_start3A_48 = tpu.memref_slice %arg7[%dma_start3A_42, %dma_start3A_47] : memref<4x64xi32, #tpu.memory_space<vmem>> -> memref<1x64xi32, #tpu.memory_space<vmem>>
    %dma_start3A_49 = tpu.memref_squeeze %dma_start3A_48 : memref<1x64xi32, #tpu.memory_space<vmem>> -> memref<64xi32, #tpu.memory_space<vmem>>
    %dma_start3A_50 = arith.constant 0 : i32
    %dma_start3A_51 = tpu.memref_slice %arg2[%dma_start3A_50] : memref<115200xf32, #tpu.memory_space<hbm>> -> memref<115200xf32, #tpu.memory_space<hbm>>
    tpu.enqueue_indirect_dma source(%dma_start3A_51 : memref<115200xf32, #tpu.memory_space<hbm>>) target(%dma_start3A_46 : memref<64xf32, #tpu.memory_space<vmem>>) offsets(%dma_start3A_49 : memref<64xi32, #tpu.memory_space<vmem>>) semaphore(%arg14 : memref<!tpu.dma_semaphore, #tpu.memory_space<semaphore_mem>>)
    %dma_start3A_52 = arith.constant 2 : i32
    %dma_start3A_53 = arith.constant 2 : i32
    %dma_start3A_54 = arith.constant 0 : i32
    %dma_start3A_55 = tpu.memref_slice %arg10[%dma_start3A_53, %dma_start3A_54] : memref<4x64xf32, #tpu.memory_space<vmem>> -> memref<1x64xf32, #tpu.memory_space<vmem>>
    %dma_start3A_56 = tpu.memref_squeeze %dma_start3A_55 : memref<1x64xf32, #tpu.memory_space<vmem>> -> memref<64xf32, #tpu.memory_space<vmem>>
    %dma_start3A_57 = arith.constant 0 : i32
    %dma_start3A_58 = tpu.memref_slice %arg8[%dma_start3A_52, %dma_start3A_57] : memref<4x64xi32, #tpu.memory_space<vmem>> -> memref<1x64xi32, #tpu.memory_space<vmem>>
    %dma_start3A_59 = tpu.memref_squeeze %dma_start3A_58 : memref<1x64xi32, #tpu.memory_space<vmem>> -> memref<64xi32, #tpu.memory_space<vmem>>
    %dma_start3A_60 = arith.constant 0 : i32
    %dma_start3A_61 = tpu.memref_slice %arg3[%dma_start3A_60] : memref<6400xf32, #tpu.memory_space<hbm>> -> memref<6400xf32, #tpu.memory_space<hbm>>
    tpu.enqueue_indirect_dma source(%dma_start3A_61 : memref<6400xf32, #tpu.memory_space<hbm>>) target(%dma_start3A_56 : memref<64xf32, #tpu.memory_space<vmem>>) offsets(%dma_start3A_59 : memref<64xi32, #tpu.memory_space<vmem>>) semaphore(%arg14 : memref<!tpu.dma_semaphore, #tpu.memory_space<semaphore_mem>>)
    %dma_start3A_62 = arith.constant 3 : i32
    %dma_start3A_63 = arith.constant 3 : i32
    %dma_start3A_64 = arith.constant 0 : i32
    %dma_start3A_65 = tpu.memref_slice %arg9[%dma_start3A_63, %dma_start3A_64] : memref<4x64xf32, #tpu.memory_space<vmem>> -> memref<1x64xf32, #tpu.memory_space<vmem>>
    %dma_start3A_66 = tpu.memref_squeeze %dma_start3A_65 : memref<1x64xf32, #tpu.memory_space<vmem>> -> memref<64xf32, #tpu.memory_space<vmem>>
    %dma_start3A_67 = arith.constant 0 : i32
    %dma_start3A_68 = tpu.memref_slice %arg7[%dma_start3A_62, %dma_start3A_67] : memref<4x64xi32, #tpu.memory_space<vmem>> -> memref<1x64xi32, #tpu.memory_space<vmem>>
    %dma_start3A_69 = tpu.memref_squeeze %dma_start3A_68 : memref<1x64xi32, #tpu.memory_space<vmem>> -> memref<64xi32, #tpu.memory_space<vmem>>
    %dma_start3A_70 = arith.constant 0 : i32
    %dma_start3A_71 = tpu.memref_slice %arg2[%dma_start3A_70] : memref<115200xf32, #tpu.memory_space<hbm>> -> memref<115200xf32, #tpu.memory_space<hbm>>
    tpu.enqueue_indirect_dma source(%dma_start3A_71 : memref<115200xf32, #tpu.memory_space<hbm>>) target(%dma_start3A_66 : memref<64xf32, #tpu.memory_space<vmem>>) offsets(%dma_start3A_69 : memref<64xi32, #tpu.memory_space<vmem>>) semaphore(%arg14 : memref<!tpu.dma_semaphore, #tpu.memory_space<semaphore_mem>>)
    %dma_start3A_72 = arith.constant 3 : i32
    %dma_start3A_73 = arith.constant 3 : i32
    %dma_start3A_74 = arith.constant 0 : i32
    %dma_start3A_75 = tpu.memref_slice %arg10[%dma_start3A_73, %dma_start3A_74] : memref<4x64xf32, #tpu.memory_space<vmem>> -> memref<1x64xf32, #tpu.memory_space<vmem>>
    %dma_start3A_76 = tpu.memref_squeeze %dma_start3A_75 : memref<1x64xf32, #tpu.memory_space<vmem>> -> memref<64xf32, #tpu.memory_space<vmem>>
    %dma_start3A_77 = arith.constant 0 : i32
    %dma_start3A_78 = tpu.memref_slice %arg8[%dma_start3A_72, %dma_start3A_77] : memref<4x64xi32, #tpu.memory_space<vmem>> -> memref<1x64xi32, #tpu.memory_space<vmem>>
    %dma_start3A_79 = tpu.memref_squeeze %dma_start3A_78 : memref<1x64xi32, #tpu.memory_space<vmem>> -> memref<64xi32, #tpu.memory_space<vmem>>
    %dma_start3A_80 = arith.constant 0 : i32
    %dma_start3A_81 = tpu.memref_slice %arg3[%dma_start3A_80] : memref<6400xf32, #tpu.memory_space<hbm>> -> memref<6400xf32, #tpu.memory_space<hbm>>
    tpu.enqueue_indirect_dma source(%dma_start3A_81 : memref<6400xf32, #tpu.memory_space<hbm>>) target(%dma_start3A_76 : memref<64xf32, #tpu.memory_space<vmem>>) offsets(%dma_start3A_79 : memref<64xi32, #tpu.memory_space<vmem>>) semaphore(%arg14 : memref<!tpu.dma_semaphore, #tpu.memory_space<semaphore_mem>>)
    %dma_wait3A = arith.constant 0 : i32
    %dma_wait3A_82 = arith.constant 0 : i32
    %dma_wait3A_83 = arith.constant 0 : i32
    %dma_wait3A_84 = tpu.memref_slice %arg9[%dma_wait3A_82, %dma_wait3A_83] : memref<4x64xf32, #tpu.memory_space<vmem>> -> memref<1x64xf32, #tpu.memory_space<vmem>>
    %dma_wait3A_85 = tpu.memref_squeeze %dma_wait3A_84 : memref<1x64xf32, #tpu.memory_space<vmem>> -> memref<64xf32, #tpu.memory_space<vmem>>
    %dma_wait3A_86 = arith.constant 0 : i32
    %dma_wait3A_87 = tpu.memref_slice %arg7[%dma_wait3A, %dma_wait3A_86] : memref<4x64xi32, #tpu.memory_space<vmem>> -> memref<1x64xi32, #tpu.memory_space<vmem>>
    %dma_wait3A_88 = tpu.memref_squeeze %dma_wait3A_87 : memref<1x64xi32, #tpu.memory_space<vmem>> -> memref<64xi32, #tpu.memory_space<vmem>>
    %dma_wait3A_89 = arith.constant 0 : i32
    %dma_wait3A_90 = tpu.memref_slice %arg2[%dma_wait3A_89] : memref<115200xf32, #tpu.memory_space<hbm>> -> memref<115200xf32, #tpu.memory_space<hbm>>
    tpu.wait_indirect_dma semaphore(%arg14 : memref<!tpu.dma_semaphore, #tpu.memory_space<semaphore_mem>>) src(%dma_wait3A_90 : memref<115200xf32, #tpu.memory_space<hbm>>) dst(%dma_wait3A_85 : memref<64xf32, #tpu.memory_space<vmem>>)
    %dma_wait3A_91 = arith.constant 0 : i32
    %dma_wait3A_92 = arith.constant 0 : i32
    %dma_wait3A_93 = arith.constant 0 : i32
    %dma_wait3A_94 = tpu.memref_slice %arg10[%dma_wait3A_92, %dma_wait3A_93] : memref<4x64xf32, #tpu.memory_space<vmem>> -> memref<1x64xf32, #tpu.memory_space<vmem>>
    %dma_wait3A_95 = tpu.memref_squeeze %dma_wait3A_94 : memref<1x64xf32, #tpu.memory_space<vmem>> -> memref<64xf32, #tpu.memory_space<vmem>>
    %dma_wait3A_96 = arith.constant 0 : i32
    %dma_wait3A_97 = tpu.memref_slice %arg8[%dma_wait3A_91, %dma_wait3A_96] : memref<4x64xi32, #tpu.memory_space<vmem>> -> memref<1x64xi32, #tpu.memory_space<vmem>>
    %dma_wait3A_98 = tpu.memref_squeeze %dma_wait3A_97 : memref<1x64xi32, #tpu.memory_space<vmem>> -> memref<64xi32, #tpu.memory_space<vmem>>
    %dma_wait3A_99 = arith.constant 0 : i32
    %dma_wait3A_100 = tpu.memref_slice %arg3[%dma_wait3A_99] : memref<6400xf32, #tpu.memory_space<hbm>> -> memref<6400xf32, #tpu.memory_space<hbm>>
    tpu.wait_indirect_dma semaphore(%arg14 : memref<!tpu.dma_semaphore, #tpu.memory_space<semaphore_mem>>) src(%dma_wait3A_100 : memref<6400xf32, #tpu.memory_space<hbm>>) dst(%dma_wait3A_95 : memref<64xf32, #tpu.memory_space<vmem>>)
    %dma_wait3A_101 = arith.constant 1 : i32
    %dma_wait3A_102 = arith.constant 1 : i32
    %dma_wait3A_103 = arith.constant 0 : i32
    %dma_wait3A_104 = tpu.memref_slice %arg9[%dma_wait3A_102, %dma_wait3A_103] : memref<4x64xf32, #tpu.memory_space<vmem>> -> memref<1x64xf32, #tpu.memory_space<vmem>>
    %dma_wait3A_105 = tpu.memref_squeeze %dma_wait3A_104 : memref<1x64xf32, #tpu.memory_space<vmem>> -> memref<64xf32, #tpu.memory_space<vmem>>
    %dma_wait3A_106 = arith.constant 0 : i32
    %dma_wait3A_107 = tpu.memref_slice %arg7[%dma_wait3A_101, %dma_wait3A_106] : memref<4x64xi32, #tpu.memory_space<vmem>> -> memref<1x64xi32, #tpu.memory_space<vmem>>
    %dma_wait3A_108 = tpu.memref_squeeze %dma_wait3A_107 : memref<1x64xi32, #tpu.memory_space<vmem>> -> memref<64xi32, #tpu.memory_space<vmem>>
    %dma_wait3A_109 = arith.constant 0 : i32
    %dma_wait3A_110 = tpu.memref_slice %arg2[%dma_wait3A_109] : memref<115200xf32, #tpu.memory_space<hbm>> -> memref<115200xf32, #tpu.memory_space<hbm>>
    tpu.wait_indirect_dma semaphore(%arg14 : memref<!tpu.dma_semaphore, #tpu.memory_space<semaphore_mem>>) src(%dma_wait3A_110 : memref<115200xf32, #tpu.memory_space<hbm>>) dst(%dma_wait3A_105 : memref<64xf32, #tpu.memory_space<vmem>>)
    %dma_wait3A_111 = arith.constant 1 : i32
    %dma_wait3A_112 = arith.constant 1 : i32
    %dma_wait3A_113 = arith.constant 0 : i32
    %dma_wait3A_114 = tpu.memref_slice %arg10[%dma_wait3A_112, %dma_wait3A_113] : memref<4x64xf32, #tpu.memory_space<vmem>> -> memref<1x64xf32, #tpu.memory_space<vmem>>
    %dma_wait3A_115 = tpu.memref_squeeze %dma_wait3A_114 : memref<1x64xf32, #tpu.memory_space<vmem>> -> memref<64xf32, #tpu.memory_space<vmem>>
    %dma_wait3A_116 = arith.constant 0 : i32
    %dma_wait3A_117 = tpu.memref_slice %arg8[%dma_wait3A_111, %dma_wait3A_116] : memref<4x64xi32, #tpu.memory_space<vmem>> -> memref<1x64xi32, #tpu.memory_space<vmem>>
    %dma_wait3A_118 = tpu.memref_squeeze %dma_wait3A_117 : memref<1x64xi32, #tpu.memory_space<vmem>> -> memref<64xi32, #tpu.memory_space<vmem>>
    %dma_wait3A_119 = arith.constant 0 : i32
    %dma_wait3A_120 = tpu.memref_slice %arg3[%dma_wait3A_119] : memref<6400xf32, #tpu.memory_space<hbm>> -> memref<6400xf32, #tpu.memory_space<hbm>>
    tpu.wait_indirect_dma semaphore(%arg14 : memref<!tpu.dma_semaphore, #tpu.memory_space<semaphore_mem>>) src(%dma_wait3A_120 : memref<6400xf32, #tpu.memory_space<hbm>>) dst(%dma_wait3A_115 : memref<64xf32, #tpu.memory_space<vmem>>)
    %dma_wait3A_121 = arith.constant 2 : i32
    %dma_wait3A_122 = arith.constant 2 : i32
    %dma_wait3A_123 = arith.constant 0 : i32
    %dma_wait3A_124 = tpu.memref_slice %arg9[%dma_wait3A_122, %dma_wait3A_123] : memref<4x64xf32, #tpu.memory_space<vmem>> -> memref<1x64xf32, #tpu.memory_space<vmem>>
    %dma_wait3A_125 = tpu.memref_squeeze %dma_wait3A_124 : memref<1x64xf32, #tpu.memory_space<vmem>> -> memref<64xf32, #tpu.memory_space<vmem>>
    %dma_wait3A_126 = arith.constant 0 : i32
    %dma_wait3A_127 = tpu.memref_slice %arg7[%dma_wait3A_121, %dma_wait3A_126] : memref<4x64xi32, #tpu.memory_space<vmem>> -> memref<1x64xi32, #tpu.memory_space<vmem>>
    %dma_wait3A_128 = tpu.memref_squeeze %dma_wait3A_127 : memref<1x64xi32, #tpu.memory_space<vmem>> -> memref<64xi32, #tpu.memory_space<vmem>>
    %dma_wait3A_129 = arith.constant 0 : i32
    %dma_wait3A_130 = tpu.memref_slice %arg2[%dma_wait3A_129] : memref<115200xf32, #tpu.memory_space<hbm>> -> memref<115200xf32, #tpu.memory_space<hbm>>
    tpu.wait_indirect_dma semaphore(%arg14 : memref<!tpu.dma_semaphore, #tpu.memory_space<semaphore_mem>>) src(%dma_wait3A_130 : memref<115200xf32, #tpu.memory_space<hbm>>) dst(%dma_wait3A_125 : memref<64xf32, #tpu.memory_space<vmem>>)
    %dma_wait3A_131 = arith.constant 2 : i32
    %dma_wait3A_132 = arith.constant 2 : i32
    %dma_wait3A_133 = arith.constant 0 : i32
    %dma_wait3A_134 = tpu.memref_slice %arg10[%dma_wait3A_132, %dma_wait3A_133] : memref<4x64xf32, #tpu.memory_space<vmem>> -> memref<1x64xf32, #tpu.memory_space<vmem>>
    %dma_wait3A_135 = tpu.memref_squeeze %dma_wait3A_134 : memref<1x64xf32, #tpu.memory_space<vmem>> -> memref<64xf32, #tpu.memory_space<vmem>>
    %dma_wait3A_136 = arith.constant 0 : i32
    %dma_wait3A_137 = tpu.memref_slice %arg8[%dma_wait3A_131, %dma_wait3A_136] : memref<4x64xi32, #tpu.memory_space<vmem>> -> memref<1x64xi32, #tpu.memory_space<vmem>>
    %dma_wait3A_138 = tpu.memref_squeeze %dma_wait3A_137 : memref<1x64xi32, #tpu.memory_space<vmem>> -> memref<64xi32, #tpu.memory_space<vmem>>
    %dma_wait3A_139 = arith.constant 0 : i32
    %dma_wait3A_140 = tpu.memref_slice %arg3[%dma_wait3A_139] : memref<6400xf32, #tpu.memory_space<hbm>> -> memref<6400xf32, #tpu.memory_space<hbm>>
    tpu.wait_indirect_dma semaphore(%arg14 : memref<!tpu.dma_semaphore, #tpu.memory_space<semaphore_mem>>) src(%dma_wait3A_140 : memref<6400xf32, #tpu.memory_space<hbm>>) dst(%dma_wait3A_135 : memref<64xf32, #tpu.memory_space<vmem>>)
    %dma_wait3A_141 = arith.constant 3 : i32
    %dma_wait3A_142 = arith.constant 3 : i32
    %dma_wait3A_143 = arith.constant 0 : i32
    %dma_wait3A_144 = tpu.memref_slice %arg9[%dma_wait3A_142, %dma_wait3A_143] : memref<4x64xf32, #tpu.memory_space<vmem>> -> memref<1x64xf32, #tpu.memory_space<vmem>>
    %dma_wait3A_145 = tpu.memref_squeeze %dma_wait3A_144 : memref<1x64xf32, #tpu.memory_space<vmem>> -> memref<64xf32, #tpu.memory_space<vmem>>
    %dma_wait3A_146 = arith.constant 0 : i32
    %dma_wait3A_147 = tpu.memref_slice %arg7[%dma_wait3A_141, %dma_wait3A_146] : memref<4x64xi32, #tpu.memory_space<vmem>> -> memref<1x64xi32, #tpu.memory_space<vmem>>
    %dma_wait3A_148 = tpu.memref_squeeze %dma_wait3A_147 : memref<1x64xi32, #tpu.memory_space<vmem>> -> memref<64xi32, #tpu.memory_space<vmem>>
    %dma_wait3A_149 = arith.constant 0 : i32
    %dma_wait3A_150 = tpu.memref_slice %arg2[%dma_wait3A_149] : memref<115200xf32, #tpu.memory_space<hbm>> -> memref<115200xf32, #tpu.memory_space<hbm>>
    tpu.wait_indirect_dma semaphore(%arg14 : memref<!tpu.dma_semaphore, #tpu.memory_space<semaphore_mem>>) src(%dma_wait3A_150 : memref<115200xf32, #tpu.memory_space<hbm>>) dst(%dma_wait3A_145 : memref<64xf32, #tpu.memory_space<vmem>>)
    %dma_wait3A_151 = arith.constant 3 : i32
    %dma_wait3A_152 = arith.constant 3 : i32
    %dma_wait3A_153 = arith.constant 0 : i32
    %dma_wait3A_154 = tpu.memref_slice %arg10[%dma_wait3A_152, %dma_wait3A_153] : memref<4x64xf32, #tpu.memory_space<vmem>> -> memref<1x64xf32, #tpu.memory_space<vmem>>
    %dma_wait3A_155 = tpu.memref_squeeze %dma_wait3A_154 : memref<1x64xf32, #tpu.memory_space<vmem>> -> memref<64xf32, #tpu.memory_space<vmem>>
    %dma_wait3A_156 = arith.constant 0 : i32
    %dma_wait3A_157 = tpu.memref_slice %arg8[%dma_wait3A_151, %dma_wait3A_156] : memref<4x64xi32, #tpu.memory_space<vmem>> -> memref<1x64xi32, #tpu.memory_space<vmem>>
    %dma_wait3A_158 = tpu.memref_squeeze %dma_wait3A_157 : memref<1x64xi32, #tpu.memory_space<vmem>> -> memref<64xi32, #tpu.memory_space<vmem>>
    %dma_wait3A_159 = arith.constant 0 : i32
    %dma_wait3A_160 = tpu.memref_slice %arg3[%dma_wait3A_159] : memref<6400xf32, #tpu.memory_space<hbm>> -> memref<6400xf32, #tpu.memory_space<hbm>>
    tpu.wait_indirect_dma semaphore(%arg14 : memref<!tpu.dma_semaphore, #tpu.memory_space<semaphore_mem>>) src(%dma_wait3A_160 : memref<6400xf32, #tpu.memory_space<hbm>>) dst(%dma_wait3A_155 : memref<64xf32, #tpu.memory_space<vmem>>)
    %add3A_161 = arith.constant 0 : i32
    %add3A_162 = vector.broadcast %add3A_161 : i32 to vector<16xi32>
    %add3A_163 = arith.addi %iota3A, %add3A_162 : vector<16xi32>
    %lt3A = arith.constant 50 : i32
    %lt3A_164 = vector.broadcast %lt3A : i32 to vector<16xi32>
    %lt3A_165 = arith.cmpi slt, %add3A_163, %lt3A_164 : vector<16xi32>
    %get3A = arith.constant 0 : i32
    %get3A_166 = arith.index_cast %get3A : i32 to index
    %get3A_167 = arith.constant 0 : index
    %get3A_168 = tpu.vector_load %arg9[%get3A_166, %get3A_167] {strides = array<i32>} : memref<4x64xf32, #tpu.memory_space<vmem>>, vector<1x16xf32>,
    %get3A_169 = vector.shape_cast %get3A_168 : vector<1x16xf32> to vector<16xf32>
    %get3A_170 = arith.constant 0 : i32
    %get3A_171 = arith.index_cast %get3A_170 : i32 to index
    %get3A_172 = arith.constant 0 : index
    %get3A_173 = tpu.vector_load %arg10[%get3A_171, %get3A_172] {strides = array<i32>} : memref<4x64xf32, #tpu.memory_space<vmem>>, vector<1x16xf32>,
    %get3A_174 = vector.shape_cast %get3A_173 : vector<1x16xf32> to vector<16xf32>
    %sub3A = arith.subf %get3A_169, %get3A_174 : vector<16xf32>
    %abs3A = math.absf %sub3A : vector<16xf32>
    %jit3A = arith.constant 0.000000e+00 : f32
    %broadcast_in_dim3A_175 = vector.broadcast %jit3A : f32 to vector<16xf32>
    %select_n3A = arith.select %lt3A_165, %abs3A, %broadcast_in_dim3A_175 : vector<16xi1>, vector<16xf32>
    %add3A_176 = arith.addf %broadcast_in_dim3A_0, %select_n3A : vector<16xf32>
    %get3A_177 = arith.constant 1 : i32
    %get3A_178 = arith.index_cast %get3A_177 : i32 to index
    %get3A_179 = arith.constant 0 : index
    %get3A_180 = tpu.vector_load %arg9[%get3A_178, %get3A_179] {strides = array<i32>} : memref<4x64xf32, #tpu.memory_space<vmem>>, vector<1x16xf32>,
    %get3A_181 = vector.shape_cast %get3A_180 : vector<1x16xf32> to vector<16xf32>
    %get3A_182 = arith.constant 1 : i32
    %get3A_183 = arith.index_cast %get3A_182 : i32 to index
    %get3A_184 = arith.constant 0 : index
    %get3A_185 = tpu.vector_load %arg10[%get3A_183, %get3A_184] {strides = array<i32>} : memref<4x64xf32, #tpu.memory_space<vmem>>, vector<1x16xf32>,
    %get3A_186 = vector.shape_cast %get3A_185 : vector<1x16xf32> to vector<16xf32>
    %sub3A_187 = arith.subf %get3A_181, %get3A_186 : vector<16xf32>
    %abs3A_188 = math.absf %sub3A_187 : vector<16xf32>
    %jit3A_189 = arith.constant 0.000000e+00 : f32
    %broadcast_in_dim3A_190 = vector.broadcast %jit3A_189 : f32 to vector<16xf32>
    %select_n3A_191 = arith.select %lt3A_165, %abs3A_188, %broadcast_in_dim3A_190 : vector<16xi1>, vector<16xf32>
    %add3A_192 = arith.addf %add3A_176, %select_n3A_191 : vector<16xf32>
    %get3A_193 = arith.constant 2 : i32
    %get3A_194 = arith.index_cast %get3A_193 : i32 to index
    %get3A_195 = arith.constant 0 : index
    %get3A_196 = tpu.vector_load %arg9[%get3A_194, %get3A_195] {strides = array<i32>} : memref<4x64xf32, #tpu.memory_space<vmem>>, vector<1x16xf32>,
    %get3A_197 = vector.shape_cast %get3A_196 : vector<1x16xf32> to vector<16xf32>
    %get3A_198 = arith.constant 2 : i32
    %get3A_199 = arith.index_cast %get3A_198 : i32 to index
    %get3A_200 = arith.constant 0 : index
    %get3A_201 = tpu.vector_load %arg10[%get3A_199, %get3A_200] {strides = array<i32>} : memref<4x64xf32, #tpu.memory_space<vmem>>, vector<1x16xf32>,
    %get3A_202 = vector.shape_cast %get3A_201 : vector<1x16xf32> to vector<16xf32>
    %sub3A_203 = arith.subf %get3A_197, %get3A_202 : vector<16xf32>
    %abs3A_204 = math.absf %sub3A_203 : vector<16xf32>
    %jit3A_205 = arith.constant 0.000000e+00 : f32
    %broadcast_in_dim3A_206 = vector.broadcast %jit3A_205 : f32 to vector<16xf32>
    %select_n3A_207 = arith.select %lt3A_165, %abs3A_204, %broadcast_in_dim3A_206 : vector<16xi1>, vector<16xf32>
    %add3A_208 = arith.addf %add3A_192, %select_n3A_207 : vector<16xf32>
    %get3A_209 = arith.constant 3 : i32
    %get3A_210 = arith.index_cast %get3A_209 : i32 to index
    %get3A_211 = arith.constant 0 : index
    %get3A_212 = tpu.vector_load %arg9[%get3A_210, %get3A_211] {strides = array<i32>} : memref<4x64xf32, #tpu.memory_space<vmem>>, vector<1x16xf32>,
    %get3A_213 = vector.shape_cast %get3A_212 : vector<1x16xf32> to vector<16xf32>
    %get3A_214 = arith.constant 3 : i32
    %get3A_215 = arith.index_cast %get3A_214 : i32 to index
    %get3A_216 = arith.constant 0 : index
    %get3A_217 = tpu.vector_load %arg10[%get3A_215, %get3A_216] {strides = array<i32>} : memref<4x64xf32, #tpu.memory_space<vmem>>, vector<1x16xf32>,
    %get3A_218 = vector.shape_cast %get3A_217 : vector<1x16xf32> to vector<16xf32>
    %sub3A_219 = arith.subf %get3A_213, %get3A_218 : vector<16xf32>
    %abs3A_220 = math.absf %sub3A_219 : vector<16xf32>
    %jit3A_221 = arith.constant 0.000000e+00 : f32
    %broadcast_in_dim3A_222 = vector.broadcast %jit3A_221 : f32 to vector<16xf32>
    %select_n3A_223 = arith.select %lt3A_165, %abs3A_220, %broadcast_in_dim3A_222 : vector<16xi1>, vector<16xf32>
    %add3A_224 = arith.addf %add3A_208, %select_n3A_223 : vector<16xf32>
    %add3A_225 = arith.constant 16 : i32
    %add3A_226 = vector.broadcast %add3A_225 : i32 to vector<16xi32>
    %add3A_227 = arith.addi %iota3A, %add3A_226 : vector<16xi32>
    %lt3A_228 = arith.constant 50 : i32
    %lt3A_229 = vector.broadcast %lt3A_228 : i32 to vector<16xi32>
    %lt3A_230 = arith.cmpi slt, %add3A_227, %lt3A_229 : vector<16xi32>
    %get3A_231 = arith.constant 0 : i32
    %get3A_232 = arith.index_cast %get3A_231 : i32 to index
    %get3A_233 = arith.constant 16 : index
    %get3A_234 = tpu.vector_load %arg9[%get3A_232, %get3A_233] {strides = array<i32>} : memref<4x64xf32, #tpu.memory_space<vmem>>, vector<1x16xf32>,
    %get3A_235 = vector.shape_cast %get3A_234 : vector<1x16xf32> to vector<16xf32>
    %get3A_236 = arith.constant 0 : i32
    %get3A_237 = arith.index_cast %get3A_236 : i32 to index
    %get3A_238 = arith.constant 16 : index
    %get3A_239 = tpu.vector_load %arg10[%get3A_237, %get3A_238] {strides = array<i32>} : memref<4x64xf32, #tpu.memory_space<vmem>>, vector<1x16xf32>,
    %get3A_240 = vector.shape_cast %get3A_239 : vector<1x16xf32> to vector<16xf32>
    %sub3A_241 = arith.subf %get3A_235, %get3A_240 : vector<16xf32>
    %abs3A_242 = math.absf %sub3A_241 : vector<16xf32>
    %jit3A_243 = arith.constant 0.000000e+00 : f32
    %broadcast_in_dim3A_244 = vector.broadcast %jit3A_243 : f32 to vector<16xf32>
    %select_n3A_245 = arith.select %lt3A_230, %abs3A_242, %broadcast_in_dim3A_244 : vector<16xi1>, vector<16xf32>
    %add3A_246 = arith.addf %add3A_224, %select_n3A_245 : vector<16xf32>
    %get3A_247 = arith.constant 1 : i32
    %get3A_248 = arith.index_cast %get3A_247 : i32 to index
    %get3A_249 = arith.constant 16 : index
    %get3A_250 = tpu.vector_load %arg9[%get3A_248, %get3A_249] {strides = array<i32>} : memref<4x64xf32, #tpu.memory_space<vmem>>, vector<1x16xf32>,
    %get3A_251 = vector.shape_cast %get3A_250 : vector<1x16xf32> to vector<16xf32>
    %get3A_252 = arith.constant 1 : i32
    %get3A_253 = arith.index_cast %get3A_252 : i32 to index
    %get3A_254 = arith.constant 16 : index
    %get3A_255 = tpu.vector_load %arg10[%get3A_253, %get3A_254] {strides = array<i32>} : memref<4x64xf32, #tpu.memory_space<vmem>>, vector<1x16xf32>,
    %get3A_256 = vector.shape_cast %get3A_255 : vector<1x16xf32> to vector<16xf32>
    %sub3A_257 = arith.subf %get3A_251, %get3A_256 : vector<16xf32>
    %abs3A_258 = math.absf %sub3A_257 : vector<16xf32>
    %jit3A_259 = arith.constant 0.000000e+00 : f32
    %broadcast_in_dim3A_260 = vector.broadcast %jit3A_259 : f32 to vector<16xf32>
    %select_n3A_261 = arith.select %lt3A_230, %abs3A_258, %broadcast_in_dim3A_260 : vector<16xi1>, vector<16xf32>
    %add3A_262 = arith.addf %add3A_246, %select_n3A_261 : vector<16xf32>
    %get3A_263 = arith.constant 2 : i32
    %get3A_264 = arith.index_cast %get3A_263 : i32 to index
    %get3A_265 = arith.constant 16 : index
    %get3A_266 = tpu.vector_load %arg9[%get3A_264, %get3A_265] {strides = array<i32>} : memref<4x64xf32, #tpu.memory_space<vmem>>, vector<1x16xf32>,
    %get3A_267 = vector.shape_cast %get3A_266 : vector<1x16xf32> to vector<16xf32>
    %get3A_268 = arith.constant 2 : i32
    %get3A_269 = arith.index_cast %get3A_268 : i32 to index
    %get3A_270 = arith.constant 16 : index
    %get3A_271 = tpu.vector_load %arg10[%get3A_269, %get3A_270] {strides = array<i32>} : memref<4x64xf32, #tpu.memory_space<vmem>>, vector<1x16xf32>,
    %get3A_272 = vector.shape_cast %get3A_271 : vector<1x16xf32> to vector<16xf32>
    %sub3A_273 = arith.subf %get3A_267, %get3A_272 : vector<16xf32>
    %abs3A_274 = math.absf %sub3A_273 : vector<16xf32>
    %jit3A_275 = arith.constant 0.000000e+00 : f32
    %broadcast_in_dim3A_276 = vector.broadcast %jit3A_275 : f32 to vector<16xf32>
    %select_n3A_277 = arith.select %lt3A_230, %abs3A_274, %broadcast_in_dim3A_276 : vector<16xi1>, vector<16xf32>
    %add3A_278 = arith.addf %add3A_262, %select_n3A_277 : vector<16xf32>
    %get3A_279 = arith.constant 3 : i32
    %get3A_280 = arith.index_cast %get3A_279 : i32 to index
    %get3A_281 = arith.constant 16 : index
    %get3A_282 = tpu.vector_load %arg9[%get3A_280, %get3A_281] {strides = array<i32>} : memref<4x64xf32, #tpu.memory_space<vmem>>, vector<1x16xf32>,
    %get3A_283 = vector.shape_cast %get3A_282 : vector<1x16xf32> to vector<16xf32>
    %get3A_284 = arith.constant 3 : i32
    %get3A_285 = arith.index_cast %get3A_284 : i32 to index
    %get3A_286 = arith.constant 16 : index
    %get3A_287 = tpu.vector_load %arg10[%get3A_285, %get3A_286] {strides = array<i32>} : memref<4x64xf32, #tpu.memory_space<vmem>>, vector<1x16xf32>,
    %get3A_288 = vector.shape_cast %get3A_287 : vector<1x16xf32> to vector<16xf32>
    %sub3A_289 = arith.subf %get3A_283, %get3A_288 : vector<16xf32>
    %abs3A_290 = math.absf %sub3A_289 : vector<16xf32>
    %jit3A_291 = arith.constant 0.000000e+00 : f32
    %broadcast_in_dim3A_292 = vector.broadcast %jit3A_291 : f32 to vector<16xf32>
    %select_n3A_293 = arith.select %lt3A_230, %abs3A_290, %broadcast_in_dim3A_292 : vector<16xi1>, vector<16xf32>
    %add3A_294 = arith.addf %add3A_278, %select_n3A_293 : vector<16xf32>
    %add3A_295 = arith.constant 32 : i32
    %add3A_296 = vector.broadcast %add3A_295 : i32 to vector<16xi32>
    %add3A_297 = arith.addi %iota3A, %add3A_296 : vector<16xi32>
    %lt3A_298 = arith.constant 50 : i32
    %lt3A_299 = vector.broadcast %lt3A_298 : i32 to vector<16xi32>
    %lt3A_300 = arith.cmpi slt, %add3A_297, %lt3A_299 : vector<16xi32>
    %get3A_301 = arith.constant 0 : i32
    %get3A_302 = arith.index_cast %get3A_301 : i32 to index
    %get3A_303 = arith.constant 32 : index
    %get3A_304 = tpu.vector_load %arg9[%get3A_302, %get3A_303] {strides = array<i32>} : memref<4x64xf32, #tpu.memory_space<vmem>>, vector<1x16xf32>,
    %get3A_305 = vector.shape_cast %get3A_304 : vector<1x16xf32> to vector<16xf32>
    %get3A_306 = arith.constant 0 : i32
    %get3A_307 = arith.index_cast %get3A_306 : i32 to index
    %get3A_308 = arith.constant 32 : index
    %get3A_309 = tpu.vector_load %arg10[%get3A_307, %get3A_308] {strides = array<i32>} : memref<4x64xf32, #tpu.memory_space<vmem>>, vector<1x16xf32>,
    %get3A_310 = vector.shape_cast %get3A_309 : vector<1x16xf32> to vector<16xf32>
    %sub3A_311 = arith.subf %get3A_305, %get3A_310 : vector<16xf32>
    %abs3A_312 = math.absf %sub3A_311 : vector<16xf32>
    %jit3A_313 = arith.constant 0.000000e+00 : f32
    %broadcast_in_dim3A_314 = vector.broadcast %jit3A_313 : f32 to vector<16xf32>
    %select_n3A_315 = arith.select %lt3A_300, %abs3A_312, %broadcast_in_dim3A_314 : vector<16xi1>, vector<16xf32>
    %add3A_316 = arith.addf %add3A_294, %select_n3A_315 : vector<16xf32>
    %get3A_317 = arith.constant 1 : i32
    %get3A_318 = arith.index_cast %get3A_317 : i32 to index
    %get3A_319 = arith.constant 32 : index
    %get3A_320 = tpu.vector_load %arg9[%get3A_318, %get3A_319] {strides = array<i32>} : memref<4x64xf32, #tpu.memory_space<vmem>>, vector<1x16xf32>,
    %get3A_321 = vector.shape_cast %get3A_320 : vector<1x16xf32> to vector<16xf32>
    %get3A_322 = arith.constant 1 : i32
    %get3A_323 = arith.index_cast %get3A_322 : i32 to index
    %get3A_324 = arith.constant 32 : index
    %get3A_325 = tpu.vector_load %arg10[%get3A_323, %get3A_324] {strides = array<i32>} : memref<4x64xf32, #tpu.memory_space<vmem>>, vector<1x16xf32>,
    %get3A_326 = vector.shape_cast %get3A_325 : vector<1x16xf32> to vector<16xf32>
    %sub3A_327 = arith.subf %get3A_321, %get3A_326 : vector<16xf32>
    %abs3A_328 = math.absf %sub3A_327 : vector<16xf32>
    %jit3A_329 = arith.constant 0.000000e+00 : f32
    %broadcast_in_dim3A_330 = vector.broadcast %jit3A_329 : f32 to vector<16xf32>
    %select_n3A_331 = arith.select %lt3A_300, %abs3A_328, %broadcast_in_dim3A_330 : vector<16xi1>, vector<16xf32>
    %add3A_332 = arith.addf %add3A_316, %select_n3A_331 : vector<16xf32>
    %get3A_333 = arith.constant 2 : i32
    %get3A_334 = arith.index_cast %get3A_333 : i32 to index
    %get3A_335 = arith.constant 32 : index
    %get3A_336 = tpu.vector_load %arg9[%get3A_334, %get3A_335] {strides = array<i32>} : memref<4x64xf32, #tpu.memory_space<vmem>>, vector<1x16xf32>,
    %get3A_337 = vector.shape_cast %get3A_336 : vector<1x16xf32> to vector<16xf32>
    %get3A_338 = arith.constant 2 : i32
    %get3A_339 = arith.index_cast %get3A_338 : i32 to index
    %get3A_340 = arith.constant 32 : index
    %get3A_341 = tpu.vector_load %arg10[%get3A_339, %get3A_340] {strides = array<i32>} : memref<4x64xf32, #tpu.memory_space<vmem>>, vector<1x16xf32>,
    %get3A_342 = vector.shape_cast %get3A_341 : vector<1x16xf32> to vector<16xf32>
    %sub3A_343 = arith.subf %get3A_337, %get3A_342 : vector<16xf32>
    %abs3A_344 = math.absf %sub3A_343 : vector<16xf32>
    %jit3A_345 = arith.constant 0.000000e+00 : f32
    %broadcast_in_dim3A_346 = vector.broadcast %jit3A_345 : f32 to vector<16xf32>
    %select_n3A_347 = arith.select %lt3A_300, %abs3A_344, %broadcast_in_dim3A_346 : vector<16xi1>, vector<16xf32>
    %add3A_348 = arith.addf %add3A_332, %select_n3A_347 : vector<16xf32>
    %get3A_349 = arith.constant 3 : i32
    %get3A_350 = arith.index_cast %get3A_349 : i32 to index
    %get3A_351 = arith.constant 32 : index
    %get3A_352 = tpu.vector_load %arg9[%get3A_350, %get3A_351] {strides = array<i32>} : memref<4x64xf32, #tpu.memory_space<vmem>>, vector<1x16xf32>,
    %get3A_353 = vector.shape_cast %get3A_352 : vector<1x16xf32> to vector<16xf32>
    %get3A_354 = arith.constant 3 : i32
    %get3A_355 = arith.index_cast %get3A_354 : i32 to index
    %get3A_356 = arith.constant 32 : index
    %get3A_357 = tpu.vector_load %arg10[%get3A_355, %get3A_356] {strides = array<i32>} : memref<4x64xf32, #tpu.memory_space<vmem>>, vector<1x16xf32>,
    %get3A_358 = vector.shape_cast %get3A_357 : vector<1x16xf32> to vector<16xf32>
    %sub3A_359 = arith.subf %get3A_353, %get3A_358 : vector<16xf32>
    %abs3A_360 = math.absf %sub3A_359 : vector<16xf32>
    %jit3A_361 = arith.constant 0.000000e+00 : f32
    %broadcast_in_dim3A_362 = vector.broadcast %jit3A_361 : f32 to vector<16xf32>
    %select_n3A_363 = arith.select %lt3A_300, %abs3A_360, %broadcast_in_dim3A_362 : vector<16xi1>, vector<16xf32>
    %add3A_364 = arith.addf %add3A_348, %select_n3A_363 : vector<16xf32>
    %add3A_365 = arith.constant 48 : i32
    %add3A_366 = vector.broadcast %add3A_365 : i32 to vector<16xi32>
    %add3A_367 = arith.addi %iota3A, %add3A_366 : vector<16xi32>
    %lt3A_368 = arith.constant 50 : i32
    %lt3A_369 = vector.broadcast %lt3A_368 : i32 to vector<16xi32>
    %lt3A_370 = arith.cmpi slt, %add3A_367, %lt3A_369 : vector<16xi32>
    %get3A_371 = arith.constant 0 : i32
    %get3A_372 = arith.index_cast %get3A_371 : i32 to index
    %get3A_373 = arith.constant 48 : index
    %get3A_374 = tpu.vector_load %arg9[%get3A_372, %get3A_373] {strides = array<i32>} : memref<4x64xf32, #tpu.memory_space<vmem>>, vector<1x16xf32>,
    %get3A_375 = vector.shape_cast %get3A_374 : vector<1x16xf32> to vector<16xf32>
    %get3A_376 = arith.constant 0 : i32
    %get3A_377 = arith.index_cast %get3A_376 : i32 to index
    %get3A_378 = arith.constant 48 : index
    %get3A_379 = tpu.vector_load %arg10[%get3A_377, %get3A_378] {strides = array<i32>} : memref<4x64xf32, #tpu.memory_space<vmem>>, vector<1x16xf32>,
    %get3A_380 = vector.shape_cast %get3A_379 : vector<1x16xf32> to vector<16xf32>
    %sub3A_381 = arith.subf %get3A_375, %get3A_380 : vector<16xf32>
    %abs3A_382 = math.absf %sub3A_381 : vector<16xf32>
    %jit3A_383 = arith.constant 0.000000e+00 : f32
    %broadcast_in_dim3A_384 = vector.broadcast %jit3A_383 : f32 to vector<16xf32>
    %select_n3A_385 = arith.select %lt3A_370, %abs3A_382, %broadcast_in_dim3A_384 : vector<16xi1>, vector<16xf32>
    %add3A_386 = arith.addf %add3A_364, %select_n3A_385 : vector<16xf32>
    %get3A_387 = arith.constant 1 : i32
    %get3A_388 = arith.index_cast %get3A_387 : i32 to index
    %get3A_389 = arith.constant 48 : index
    %get3A_390 = tpu.vector_load %arg9[%get3A_388, %get3A_389] {strides = array<i32>} : memref<4x64xf32, #tpu.memory_space<vmem>>, vector<1x16xf32>,
    %get3A_391 = vector.shape_cast %get3A_390 : vector<1x16xf32> to vector<16xf32>
    %get3A_392 = arith.constant 1 : i32
    %get3A_393 = arith.index_cast %get3A_392 : i32 to index
    %get3A_394 = arith.constant 48 : index
    %get3A_395 = tpu.vector_load %arg10[%get3A_393, %get3A_394] {strides = array<i32>} : memref<4x64xf32, #tpu.memory_space<vmem>>, vector<1x16xf32>,
    %get3A_396 = vector.shape_cast %get3A_395 : vector<1x16xf32> to vector<16xf32>
    %sub3A_397 = arith.subf %get3A_391, %get3A_396 : vector<16xf32>
    %abs3A_398 = math.absf %sub3A_397 : vector<16xf32>
    %jit3A_399 = arith.constant 0.000000e+00 : f32
    %broadcast_in_dim3A_400 = vector.broadcast %jit3A_399 : f32 to vector<16xf32>
    %select_n3A_401 = arith.select %lt3A_370, %abs3A_398, %broadcast_in_dim3A_400 : vector<16xi1>, vector<16xf32>
    %add3A_402 = arith.addf %add3A_386, %select_n3A_401 : vector<16xf32>
    %get3A_403 = arith.constant 2 : i32
    %get3A_404 = arith.index_cast %get3A_403 : i32 to index
    %get3A_405 = arith.constant 48 : index
    %get3A_406 = tpu.vector_load %arg9[%get3A_404, %get3A_405] {strides = array<i32>} : memref<4x64xf32, #tpu.memory_space<vmem>>, vector<1x16xf32>,
    %get3A_407 = vector.shape_cast %get3A_406 : vector<1x16xf32> to vector<16xf32>
    %get3A_408 = arith.constant 2 : i32
    %get3A_409 = arith.index_cast %get3A_408 : i32 to index
    %get3A_410 = arith.constant 48 : index
    %get3A_411 = tpu.vector_load %arg10[%get3A_409, %get3A_410] {strides = array<i32>} : memref<4x64xf32, #tpu.memory_space<vmem>>, vector<1x16xf32>,
    %get3A_412 = vector.shape_cast %get3A_411 : vector<1x16xf32> to vector<16xf32>
    %sub3A_413 = arith.subf %get3A_407, %get3A_412 : vector<16xf32>
    %abs3A_414 = math.absf %sub3A_413 : vector<16xf32>
    %jit3A_415 = arith.constant 0.000000e+00 : f32
    %broadcast_in_dim3A_416 = vector.broadcast %jit3A_415 : f32 to vector<16xf32>
    %select_n3A_417 = arith.select %lt3A_370, %abs3A_414, %broadcast_in_dim3A_416 : vector<16xi1>, vector<16xf32>
    %add3A_418 = arith.addf %add3A_402, %select_n3A_417 : vector<16xf32>
    %get3A_419 = arith.constant 3 : i32
    %get3A_420 = arith.index_cast %get3A_419 : i32 to index
    %get3A_421 = arith.constant 48 : index
    %get3A_422 = tpu.vector_load %arg9[%get3A_420, %get3A_421] {strides = array<i32>} : memref<4x64xf32, #tpu.memory_space<vmem>>, vector<1x16xf32>,
    %get3A_423 = vector.shape_cast %get3A_422 : vector<1x16xf32> to vector<16xf32>
    %get3A_424 = arith.constant 3 : i32
    %get3A_425 = arith.index_cast %get3A_424 : i32 to index
    %get3A_426 = arith.constant 48 : index
    %get3A_427 = tpu.vector_load %arg10[%get3A_425, %get3A_426] {strides = array<i32>} : memref<4x64xf32, #tpu.memory_space<vmem>>, vector<1x16xf32>,
    %get3A_428 = vector.shape_cast %get3A_427 : vector<1x16xf32> to vector<16xf32>
    %sub3A_429 = arith.subf %get3A_423, %get3A_428 : vector<16xf32>
    %abs3A_430 = math.absf %sub3A_429 : vector<16xf32>
    %jit3A_431 = arith.constant 0.000000e+00 : f32
    %broadcast_in_dim3A_432 = vector.broadcast %jit3A_431 : f32 to vector<16xf32>
    %select_n3A_433 = arith.select %lt3A_370, %abs3A_430, %broadcast_in_dim3A_432 : vector<16xi1>, vector<16xf32>
    %add3A_434 = arith.addf %add3A_418, %select_n3A_433 : vector<16xf32>
    %mul3A_435 = arith.constant 2 : i32
    %mul3A_436 = arith.muli %arg1, %mul3A_435 : i32
    %add3A_437 = arith.constant 1 : i32
    %add3A_438 = arith.addi %mul3A_436, %add3A_437 : i32
    "tpu.region"() ({
      %run_scoped3A = tpu.sem_alloc : memref<!tpu.dma_semaphore, #tpu.memory_space<semaphore_mem>>
      %dma_start3A_889 = arith.constant 0 : i32
      %dma_start3A_890 = arith.constant 0 : i32
      %dma_start3A_891 = tpu.memref_slice %arg4[%add3A_438, %dma_start3A_889, %dma_start3A_890] : memref<32x4x64xi32, #tpu.memory_space<hbm>> -> memref<1x4x64xi32, #tpu.memory_space<hbm>>
      %dma_start3A_892 = tpu.memref_squeeze %dma_start3A_891 : memref<1x4x64xi32, #tpu.memory_space<hbm>> -> memref<4x64xi32, #tpu.memory_space<hbm>>
      %dma_start3A_893 = arith.constant 0 : i32
      %dma_start3A_894 = arith.constant 0 : i32
      %dma_start3A_895 = tpu.memref_slice %arg4[%add3A_438, %dma_start3A_893, %dma_start3A_894] : memref<32x4x64xi32, #tpu.memory_space<hbm>> -> memref<1x4x64xi32, #tpu.memory_space<hbm>>
      %dma_start3A_896 = tpu.memref_squeeze %dma_start3A_895 : memref<1x4x64xi32, #tpu.memory_space<hbm>> -> memref<4x64xi32, #tpu.memory_space<hbm>>
      tpu.enqueue_dma source(%dma_start3A_896 : memref<4x64xi32, #tpu.memory_space<hbm>>) target(%arg7 : memref<4x64xi32, #tpu.memory_space<vmem>>) target_semaphore(%run_scoped3A : memref<!tpu.dma_semaphore, #tpu.memory_space<semaphore_mem>>)
      %dma_wait3A_897 = arith.constant 0 : i32
      %dma_wait3A_898 = arith.constant 0 : i32
      %dma_wait3A_899 = tpu.memref_slice %arg4[%add3A_438, %dma_wait3A_897, %dma_wait3A_898] : memref<32x4x64xi32, #tpu.memory_space<hbm>> -> memref<1x4x64xi32, #tpu.memory_space<hbm>>
      %dma_wait3A_900 = tpu.memref_squeeze %dma_wait3A_899 : memref<1x4x64xi32, #tpu.memory_space<hbm>> -> memref<4x64xi32, #tpu.memory_space<hbm>>
      %dma_wait3A_901 = arith.constant 0 : i32
      %dma_wait3A_902 = arith.constant 0 : i32
      %dma_wait3A_903 = tpu.memref_slice %arg4[%add3A_438, %dma_wait3A_901, %dma_wait3A_902] : memref<32x4x64xi32, #tpu.memory_space<hbm>> -> memref<1x4x64xi32, #tpu.memory_space<hbm>>
      %dma_wait3A_904 = tpu.memref_squeeze %dma_wait3A_903 : memref<1x4x64xi32, #tpu.memory_space<hbm>> -> memref<4x64xi32, #tpu.memory_space<hbm>>
      tpu.wait_dma2 semaphore(%run_scoped3A : memref<!tpu.dma_semaphore, #tpu.memory_space<semaphore_mem>>) src(%dma_wait3A_904 : memref<4x64xi32, #tpu.memory_space<hbm>>) dst(%arg7 : memref<4x64xi32, #tpu.memory_space<vmem>>)
      tpu.yield
    }) : () -> ()
    "tpu.region"() ({
      %run_scoped3A = tpu.sem_alloc : memref<!tpu.dma_semaphore, #tpu.memory_space<semaphore_mem>>
      %dma_start3A_889 = arith.constant 0 : i32
      %dma_start3A_890 = arith.constant 0 : i32
      %dma_start3A_891 = tpu.memref_slice %arg5[%add3A_438, %dma_start3A_889, %dma_start3A_890] : memref<32x4x64xi32, #tpu.memory_space<hbm>> -> memref<1x4x64xi32, #tpu.memory_space<hbm>>
      %dma_start3A_892 = tpu.memref_squeeze %dma_start3A_891 : memref<1x4x64xi32, #tpu.memory_space<hbm>> -> memref<4x64xi32, #tpu.memory_space<hbm>>
      %dma_start3A_893 = arith.constant 0 : i32
      %dma_start3A_894 = arith.constant 0 : i32
      %dma_start3A_895 = tpu.memref_slice %arg5[%add3A_438, %dma_start3A_893, %dma_start3A_894] : memref<32x4x64xi32, #tpu.memory_space<hbm>> -> memref<1x4x64xi32, #tpu.memory_space<hbm>>
      %dma_start3A_896 = tpu.memref_squeeze %dma_start3A_895 : memref<1x4x64xi32, #tpu.memory_space<hbm>> -> memref<4x64xi32, #tpu.memory_space<hbm>>
      tpu.enqueue_dma source(%dma_start3A_896 : memref<4x64xi32, #tpu.memory_space<hbm>>) target(%arg8 : memref<4x64xi32, #tpu.memory_space<vmem>>) target_semaphore(%run_scoped3A : memref<!tpu.dma_semaphore, #tpu.memory_space<semaphore_mem>>)
      %dma_wait3A_897 = arith.constant 0 : i32
      %dma_wait3A_898 = arith.constant 0 : i32
      %dma_wait3A_899 = tpu.memref_slice %arg5[%add3A_438, %dma_wait3A_897, %dma_wait3A_898] : memref<32x4x64xi32, #tpu.memory_space<hbm>> -> memref<1x4x64xi32, #tpu.memory_space<hbm>>
      %dma_wait3A_900 = tpu.memref_squeeze %dma_wait3A_899 : memref<1x4x64xi32, #tpu.memory_space<hbm>> -> memref<4x64xi32, #tpu.memory_space<hbm>>
      %dma_wait3A_901 = arith.constant 0 : i32
      %dma_wait3A_902 = arith.constant 0 : i32
      %dma_wait3A_903 = tpu.memref_slice %arg5[%add3A_438, %dma_wait3A_901, %dma_wait3A_902] : memref<32x4x64xi32, #tpu.memory_space<hbm>> -> memref<1x4x64xi32, #tpu.memory_space<hbm>>
      %dma_wait3A_904 = tpu.memref_squeeze %dma_wait3A_903 : memref<1x4x64xi32, #tpu.memory_space<hbm>> -> memref<4x64xi32, #tpu.memory_space<hbm>>
      tpu.wait_dma2 semaphore(%run_scoped3A : memref<!tpu.dma_semaphore, #tpu.memory_space<semaphore_mem>>) src(%dma_wait3A_904 : memref<4x64xi32, #tpu.memory_space<hbm>>) dst(%arg8 : memref<4x64xi32, #tpu.memory_space<vmem>>)
      tpu.yield
    }) : () -> ()
    %dma_start3A_439 = arith.constant 0 : i32
    %dma_start3A_440 = arith.constant 0 : i32
    %dma_start3A_441 = arith.constant 0 : i32
    %dma_start3A_442 = tpu.memref_slice %arg9[%dma_start3A_440, %dma_start3A_441] : memref<4x64xf32, #tpu.memory_space<vmem>> -> memref<1x64xf32, #tpu.memory_space<vmem>>
    %dma_start3A_443 = tpu.memref_squeeze %dma_start3A_442 : memref<1x64xf32, #tpu.memory_space<vmem>> -> memref<64xf32, #tpu.memory_space<vmem>>
    %dma_start3A_444 = arith.constant 0 : i32
    %dma_start3A_445 = tpu.memref_slice %arg7[%dma_start3A_439, %dma_start3A_444] : memref<4x64xi32, #tpu.memory_space<vmem>> -> memref<1x64xi32, #tpu.memory_space<vmem>>
    %dma_start3A_446 = tpu.memref_squeeze %dma_start3A_445 : memref<1x64xi32, #tpu.memory_space<vmem>> -> memref<64xi32, #tpu.memory_space<vmem>>
    %dma_start3A_447 = arith.constant 0 : i32
    %dma_start3A_448 = tpu.memref_slice %arg2[%dma_start3A_447] : memref<115200xf32, #tpu.memory_space<hbm>> -> memref<115200xf32, #tpu.memory_space<hbm>>
    tpu.enqueue_indirect_dma source(%dma_start3A_448 : memref<115200xf32, #tpu.memory_space<hbm>>) target(%dma_start3A_443 : memref<64xf32, #tpu.memory_space<vmem>>) offsets(%dma_start3A_446 : memref<64xi32, #tpu.memory_space<vmem>>) semaphore(%arg14 : memref<!tpu.dma_semaphore, #tpu.memory_space<semaphore_mem>>)
    %dma_start3A_449 = arith.constant 0 : i32
    %dma_start3A_450 = arith.constant 0 : i32
    %dma_start3A_451 = arith.constant 0 : i32
    %dma_start3A_452 = tpu.memref_slice %arg10[%dma_start3A_450, %dma_start3A_451] : memref<4x64xf32, #tpu.memory_space<vmem>> -> memref<1x64xf32, #tpu.memory_space<vmem>>
    %dma_start3A_453 = tpu.memref_squeeze %dma_start3A_452 : memref<1x64xf32, #tpu.memory_space<vmem>> -> memref<64xf32, #tpu.memory_space<vmem>>
    %dma_start3A_454 = arith.constant 0 : i32
    %dma_start3A_455 = tpu.memref_slice %arg8[%dma_start3A_449, %dma_start3A_454] : memref<4x64xi32, #tpu.memory_space<vmem>> -> memref<1x64xi32, #tpu.memory_space<vmem>>
    %dma_start3A_456 = tpu.memref_squeeze %dma_start3A_455 : memref<1x64xi32, #tpu.memory_space<vmem>> -> memref<64xi32, #tpu.memory_space<vmem>>
    %dma_start3A_457 = arith.constant 0 : i32
    %dma_start3A_458 = tpu.memref_slice %arg3[%dma_start3A_457] : memref<6400xf32, #tpu.memory_space<hbm>> -> memref<6400xf32, #tpu.memory_space<hbm>>
    tpu.enqueue_indirect_dma source(%dma_start3A_458 : memref<6400xf32, #tpu.memory_space<hbm>>) target(%dma_start3A_453 : memref<64xf32, #tpu.memory_space<vmem>>) offsets(%dma_start3A_456 : memref<64xi32, #tpu.memory_space<vmem>>) semaphore(%arg14 : memref<!tpu.dma_semaphore, #tpu.memory_space<semaphore_mem>>)
    %dma_start3A_459 = arith.constant 1 : i32
    %dma_start3A_460 = arith.constant 1 : i32
    %dma_start3A_461 = arith.constant 0 : i32
    %dma_start3A_462 = tpu.memref_slice %arg9[%dma_start3A_460, %dma_start3A_461] : memref<4x64xf32, #tpu.memory_space<vmem>> -> memref<1x64xf32, #tpu.memory_space<vmem>>
    %dma_start3A_463 = tpu.memref_squeeze %dma_start3A_462 : memref<1x64xf32, #tpu.memory_space<vmem>> -> memref<64xf32, #tpu.memory_space<vmem>>
    %dma_start3A_464 = arith.constant 0 : i32
    %dma_start3A_465 = tpu.memref_slice %arg7[%dma_start3A_459, %dma_start3A_464] : memref<4x64xi32, #tpu.memory_space<vmem>> -> memref<1x64xi32, #tpu.memory_space<vmem>>
    %dma_start3A_466 = tpu.memref_squeeze %dma_start3A_465 : memref<1x64xi32, #tpu.memory_space<vmem>> -> memref<64xi32, #tpu.memory_space<vmem>>
    %dma_start3A_467 = arith.constant 0 : i32
    %dma_start3A_468 = tpu.memref_slice %arg2[%dma_start3A_467] : memref<115200xf32, #tpu.memory_space<hbm>> -> memref<115200xf32, #tpu.memory_space<hbm>>
    tpu.enqueue_indirect_dma source(%dma_start3A_468 : memref<115200xf32, #tpu.memory_space<hbm>>) target(%dma_start3A_463 : memref<64xf32, #tpu.memory_space<vmem>>) offsets(%dma_start3A_466 : memref<64xi32, #tpu.memory_space<vmem>>) semaphore(%arg14 : memref<!tpu.dma_semaphore, #tpu.memory_space<semaphore_mem>>)
    %dma_start3A_469 = arith.constant 1 : i32
    %dma_start3A_470 = arith.constant 1 : i32
    %dma_start3A_471 = arith.constant 0 : i32
    %dma_start3A_472 = tpu.memref_slice %arg10[%dma_start3A_470, %dma_start3A_471] : memref<4x64xf32, #tpu.memory_space<vmem>> -> memref<1x64xf32, #tpu.memory_space<vmem>>
    %dma_start3A_473 = tpu.memref_squeeze %dma_start3A_472 : memref<1x64xf32, #tpu.memory_space<vmem>> -> memref<64xf32, #tpu.memory_space<vmem>>
    %dma_start3A_474 = arith.constant 0 : i32
    %dma_start3A_475 = tpu.memref_slice %arg8[%dma_start3A_469, %dma_start3A_474] : memref<4x64xi32, #tpu.memory_space<vmem>> -> memref<1x64xi32, #tpu.memory_space<vmem>>
    %dma_start3A_476 = tpu.memref_squeeze %dma_start3A_475 : memref<1x64xi32, #tpu.memory_space<vmem>> -> memref<64xi32, #tpu.memory_space<vmem>>
    %dma_start3A_477 = arith.constant 0 : i32
    %dma_start3A_478 = tpu.memref_slice %arg3[%dma_start3A_477] : memref<6400xf32, #tpu.memory_space<hbm>> -> memref<6400xf32, #tpu.memory_space<hbm>>
    tpu.enqueue_indirect_dma source(%dma_start3A_478 : memref<6400xf32, #tpu.memory_space<hbm>>) target(%dma_start3A_473 : memref<64xf32, #tpu.memory_space<vmem>>) offsets(%dma_start3A_476 : memref<64xi32, #tpu.memory_space<vmem>>) semaphore(%arg14 : memref<!tpu.dma_semaphore, #tpu.memory_space<semaphore_mem>>)
    %dma_start3A_479 = arith.constant 2 : i32
    %dma_start3A_480 = arith.constant 2 : i32
    %dma_start3A_481 = arith.constant 0 : i32
    %dma_start3A_482 = tpu.memref_slice %arg9[%dma_start3A_480, %dma_start3A_481] : memref<4x64xf32, #tpu.memory_space<vmem>> -> memref<1x64xf32, #tpu.memory_space<vmem>>
    %dma_start3A_483 = tpu.memref_squeeze %dma_start3A_482 : memref<1x64xf32, #tpu.memory_space<vmem>> -> memref<64xf32, #tpu.memory_space<vmem>>
    %dma_start3A_484 = arith.constant 0 : i32
    %dma_start3A_485 = tpu.memref_slice %arg7[%dma_start3A_479, %dma_start3A_484] : memref<4x64xi32, #tpu.memory_space<vmem>> -> memref<1x64xi32, #tpu.memory_space<vmem>>
    %dma_start3A_486 = tpu.memref_squeeze %dma_start3A_485 : memref<1x64xi32, #tpu.memory_space<vmem>> -> memref<64xi32, #tpu.memory_space<vmem>>
    %dma_start3A_487 = arith.constant 0 : i32
    %dma_start3A_488 = tpu.memref_slice %arg2[%dma_start3A_487] : memref<115200xf32, #tpu.memory_space<hbm>> -> memref<115200xf32, #tpu.memory_space<hbm>>
    tpu.enqueue_indirect_dma source(%dma_start3A_488 : memref<115200xf32, #tpu.memory_space<hbm>>) target(%dma_start3A_483 : memref<64xf32, #tpu.memory_space<vmem>>) offsets(%dma_start3A_486 : memref<64xi32, #tpu.memory_space<vmem>>) semaphore(%arg14 : memref<!tpu.dma_semaphore, #tpu.memory_space<semaphore_mem>>)
    %dma_start3A_489 = arith.constant 2 : i32
    %dma_start3A_490 = arith.constant 2 : i32
    %dma_start3A_491 = arith.constant 0 : i32
    %dma_start3A_492 = tpu.memref_slice %arg10[%dma_start3A_490, %dma_start3A_491] : memref<4x64xf32, #tpu.memory_space<vmem>> -> memref<1x64xf32, #tpu.memory_space<vmem>>
    %dma_start3A_493 = tpu.memref_squeeze %dma_start3A_492 : memref<1x64xf32, #tpu.memory_space<vmem>> -> memref<64xf32, #tpu.memory_space<vmem>>
    %dma_start3A_494 = arith.constant 0 : i32
    %dma_start3A_495 = tpu.memref_slice %arg8[%dma_start3A_489, %dma_start3A_494] : memref<4x64xi32, #tpu.memory_space<vmem>> -> memref<1x64xi32, #tpu.memory_space<vmem>>
    %dma_start3A_496 = tpu.memref_squeeze %dma_start3A_495 : memref<1x64xi32, #tpu.memory_space<vmem>> -> memref<64xi32, #tpu.memory_space<vmem>>
    %dma_start3A_497 = arith.constant 0 : i32
    %dma_start3A_498 = tpu.memref_slice %arg3[%dma_start3A_497] : memref<6400xf32, #tpu.memory_space<hbm>> -> memref<6400xf32, #tpu.memory_space<hbm>>
    tpu.enqueue_indirect_dma source(%dma_start3A_498 : memref<6400xf32, #tpu.memory_space<hbm>>) target(%dma_start3A_493 : memref<64xf32, #tpu.memory_space<vmem>>) offsets(%dma_start3A_496 : memref<64xi32, #tpu.memory_space<vmem>>) semaphore(%arg14 : memref<!tpu.dma_semaphore, #tpu.memory_space<semaphore_mem>>)
    %dma_start3A_499 = arith.constant 3 : i32
    %dma_start3A_500 = arith.constant 3 : i32
    %dma_start3A_501 = arith.constant 0 : i32
    %dma_start3A_502 = tpu.memref_slice %arg9[%dma_start3A_500, %dma_start3A_501] : memref<4x64xf32, #tpu.memory_space<vmem>> -> memref<1x64xf32, #tpu.memory_space<vmem>>
    %dma_start3A_503 = tpu.memref_squeeze %dma_start3A_502 : memref<1x64xf32, #tpu.memory_space<vmem>> -> memref<64xf32, #tpu.memory_space<vmem>>
    %dma_start3A_504 = arith.constant 0 : i32
    %dma_start3A_505 = tpu.memref_slice %arg7[%dma_start3A_499, %dma_start3A_504] : memref<4x64xi32, #tpu.memory_space<vmem>> -> memref<1x64xi32, #tpu.memory_space<vmem>>
    %dma_start3A_506 = tpu.memref_squeeze %dma_start3A_505 : memref<1x64xi32, #tpu.memory_space<vmem>> -> memref<64xi32, #tpu.memory_space<vmem>>
    %dma_start3A_507 = arith.constant 0 : i32
    %dma_start3A_508 = tpu.memref_slice %arg2[%dma_start3A_507] : memref<115200xf32, #tpu.memory_space<hbm>> -> memref<115200xf32, #tpu.memory_space<hbm>>
    tpu.enqueue_indirect_dma source(%dma_start3A_508 : memref<115200xf32, #tpu.memory_space<hbm>>) target(%dma_start3A_503 : memref<64xf32, #tpu.memory_space<vmem>>) offsets(%dma_start3A_506 : memref<64xi32, #tpu.memory_space<vmem>>) semaphore(%arg14 : memref<!tpu.dma_semaphore, #tpu.memory_space<semaphore_mem>>)
    %dma_start3A_509 = arith.constant 3 : i32
    %dma_start3A_510 = arith.constant 3 : i32
    %dma_start3A_511 = arith.constant 0 : i32
    %dma_start3A_512 = tpu.memref_slice %arg10[%dma_start3A_510, %dma_start3A_511] : memref<4x64xf32, #tpu.memory_space<vmem>> -> memref<1x64xf32, #tpu.memory_space<vmem>>
    %dma_start3A_513 = tpu.memref_squeeze %dma_start3A_512 : memref<1x64xf32, #tpu.memory_space<vmem>> -> memref<64xf32, #tpu.memory_space<vmem>>
    %dma_start3A_514 = arith.constant 0 : i32
    %dma_start3A_515 = tpu.memref_slice %arg8[%dma_start3A_509, %dma_start3A_514] : memref<4x64xi32, #tpu.memory_space<vmem>> -> memref<1x64xi32, #tpu.memory_space<vmem>>
    %dma_start3A_516 = tpu.memref_squeeze %dma_start3A_515 : memref<1x64xi32, #tpu.memory_space<vmem>> -> memref<64xi32, #tpu.memory_space<vmem>>
    %dma_start3A_517 = arith.constant 0 : i32
    %dma_start3A_518 = tpu.memref_slice %arg3[%dma_start3A_517] : memref<6400xf32, #tpu.memory_space<hbm>> -> memref<6400xf32, #tpu.memory_space<hbm>>
    tpu.enqueue_indirect_dma source(%dma_start3A_518 : memref<6400xf32, #tpu.memory_space<hbm>>) target(%dma_start3A_513 : memref<64xf32, #tpu.memory_space<vmem>>) offsets(%dma_start3A_516 : memref<64xi32, #tpu.memory_space<vmem>>) semaphore(%arg14 : memref<!tpu.dma_semaphore, #tpu.memory_space<semaphore_mem>>)
    %dma_wait3A_519 = arith.constant 0 : i32
    %dma_wait3A_520 = arith.constant 0 : i32
    %dma_wait3A_521 = arith.constant 0 : i32
    %dma_wait3A_522 = tpu.memref_slice %arg9[%dma_wait3A_520, %dma_wait3A_521] : memref<4x64xf32, #tpu.memory_space<vmem>> -> memref<1x64xf32, #tpu.memory_space<vmem>>
    %dma_wait3A_523 = tpu.memref_squeeze %dma_wait3A_522 : memref<1x64xf32, #tpu.memory_space<vmem>> -> memref<64xf32, #tpu.memory_space<vmem>>
    %dma_wait3A_524 = arith.constant 0 : i32
    %dma_wait3A_525 = tpu.memref_slice %arg7[%dma_wait3A_519, %dma_wait3A_524] : memref<4x64xi32, #tpu.memory_space<vmem>> -> memref<1x64xi32, #tpu.memory_space<vmem>>
    %dma_wait3A_526 = tpu.memref_squeeze %dma_wait3A_525 : memref<1x64xi32, #tpu.memory_space<vmem>> -> memref<64xi32, #tpu.memory_space<vmem>>
    %dma_wait3A_527 = arith.constant 0 : i32
    %dma_wait3A_528 = tpu.memref_slice %arg2[%dma_wait3A_527] : memref<115200xf32, #tpu.memory_space<hbm>> -> memref<115200xf32, #tpu.memory_space<hbm>>
    tpu.wait_indirect_dma semaphore(%arg14 : memref<!tpu.dma_semaphore, #tpu.memory_space<semaphore_mem>>) src(%dma_wait3A_528 : memref<115200xf32, #tpu.memory_space<hbm>>) dst(%dma_wait3A_523 : memref<64xf32, #tpu.memory_space<vmem>>)
    %dma_wait3A_529 = arith.constant 0 : i32
    %dma_wait3A_530 = arith.constant 0 : i32
    %dma_wait3A_531 = arith.constant 0 : i32
    %dma_wait3A_532 = tpu.memref_slice %arg10[%dma_wait3A_530, %dma_wait3A_531] : memref<4x64xf32, #tpu.memory_space<vmem>> -> memref<1x64xf32, #tpu.memory_space<vmem>>
    %dma_wait3A_533 = tpu.memref_squeeze %dma_wait3A_532 : memref<1x64xf32, #tpu.memory_space<vmem>> -> memref<64xf32, #tpu.memory_space<vmem>>
    %dma_wait3A_534 = arith.constant 0 : i32
    %dma_wait3A_535 = tpu.memref_slice %arg8[%dma_wait3A_529, %dma_wait3A_534] : memref<4x64xi32, #tpu.memory_space<vmem>> -> memref<1x64xi32, #tpu.memory_space<vmem>>
    %dma_wait3A_536 = tpu.memref_squeeze %dma_wait3A_535 : memref<1x64xi32, #tpu.memory_space<vmem>> -> memref<64xi32, #tpu.memory_space<vmem>>
    %dma_wait3A_537 = arith.constant 0 : i32
    %dma_wait3A_538 = tpu.memref_slice %arg3[%dma_wait3A_537] : memref<6400xf32, #tpu.memory_space<hbm>> -> memref<6400xf32, #tpu.memory_space<hbm>>
    tpu.wait_indirect_dma semaphore(%arg14 : memref<!tpu.dma_semaphore, #tpu.memory_space<semaphore_mem>>) src(%dma_wait3A_538 : memref<6400xf32, #tpu.memory_space<hbm>>) dst(%dma_wait3A_533 : memref<64xf32, #tpu.memory_space<vmem>>)
    %dma_wait3A_539 = arith.constant 1 : i32
    %dma_wait3A_540 = arith.constant 1 : i32
    %dma_wait3A_541 = arith.constant 0 : i32
    %dma_wait3A_542 = tpu.memref_slice %arg9[%dma_wait3A_540, %dma_wait3A_541] : memref<4x64xf32, #tpu.memory_space<vmem>> -> memref<1x64xf32, #tpu.memory_space<vmem>>
    %dma_wait3A_543 = tpu.memref_squeeze %dma_wait3A_542 : memref<1x64xf32, #tpu.memory_space<vmem>> -> memref<64xf32, #tpu.memory_space<vmem>>
    %dma_wait3A_544 = arith.constant 0 : i32
    %dma_wait3A_545 = tpu.memref_slice %arg7[%dma_wait3A_539, %dma_wait3A_544] : memref<4x64xi32, #tpu.memory_space<vmem>> -> memref<1x64xi32, #tpu.memory_space<vmem>>
    %dma_wait3A_546 = tpu.memref_squeeze %dma_wait3A_545 : memref<1x64xi32, #tpu.memory_space<vmem>> -> memref<64xi32, #tpu.memory_space<vmem>>
    %dma_wait3A_547 = arith.constant 0 : i32
    %dma_wait3A_548 = tpu.memref_slice %arg2[%dma_wait3A_547] : memref<115200xf32, #tpu.memory_space<hbm>> -> memref<115200xf32, #tpu.memory_space<hbm>>
    tpu.wait_indirect_dma semaphore(%arg14 : memref<!tpu.dma_semaphore, #tpu.memory_space<semaphore_mem>>) src(%dma_wait3A_548 : memref<115200xf32, #tpu.memory_space<hbm>>) dst(%dma_wait3A_543 : memref<64xf32, #tpu.memory_space<vmem>>)
    %dma_wait3A_549 = arith.constant 1 : i32
    %dma_wait3A_550 = arith.constant 1 : i32
    %dma_wait3A_551 = arith.constant 0 : i32
    %dma_wait3A_552 = tpu.memref_slice %arg10[%dma_wait3A_550, %dma_wait3A_551] : memref<4x64xf32, #tpu.memory_space<vmem>> -> memref<1x64xf32, #tpu.memory_space<vmem>>
    %dma_wait3A_553 = tpu.memref_squeeze %dma_wait3A_552 : memref<1x64xf32, #tpu.memory_space<vmem>> -> memref<64xf32, #tpu.memory_space<vmem>>
    %dma_wait3A_554 = arith.constant 0 : i32
    %dma_wait3A_555 = tpu.memref_slice %arg8[%dma_wait3A_549, %dma_wait3A_554] : memref<4x64xi32, #tpu.memory_space<vmem>> -> memref<1x64xi32, #tpu.memory_space<vmem>>
    %dma_wait3A_556 = tpu.memref_squeeze %dma_wait3A_555 : memref<1x64xi32, #tpu.memory_space<vmem>> -> memref<64xi32, #tpu.memory_space<vmem>>
    %dma_wait3A_557 = arith.constant 0 : i32
    %dma_wait3A_558 = tpu.memref_slice %arg3[%dma_wait3A_557] : memref<6400xf32, #tpu.memory_space<hbm>> -> memref<6400xf32, #tpu.memory_space<hbm>>
    tpu.wait_indirect_dma semaphore(%arg14 : memref<!tpu.dma_semaphore, #tpu.memory_space<semaphore_mem>>) src(%dma_wait3A_558 : memref<6400xf32, #tpu.memory_space<hbm>>) dst(%dma_wait3A_553 : memref<64xf32, #tpu.memory_space<vmem>>)
    %dma_wait3A_559 = arith.constant 2 : i32
    %dma_wait3A_560 = arith.constant 2 : i32
    %dma_wait3A_561 = arith.constant 0 : i32
    %dma_wait3A_562 = tpu.memref_slice %arg9[%dma_wait3A_560, %dma_wait3A_561] : memref<4x64xf32, #tpu.memory_space<vmem>> -> memref<1x64xf32, #tpu.memory_space<vmem>>
    %dma_wait3A_563 = tpu.memref_squeeze %dma_wait3A_562 : memref<1x64xf32, #tpu.memory_space<vmem>> -> memref<64xf32, #tpu.memory_space<vmem>>
    %dma_wait3A_564 = arith.constant 0 : i32
    %dma_wait3A_565 = tpu.memref_slice %arg7[%dma_wait3A_559, %dma_wait3A_564] : memref<4x64xi32, #tpu.memory_space<vmem>> -> memref<1x64xi32, #tpu.memory_space<vmem>>
    %dma_wait3A_566 = tpu.memref_squeeze %dma_wait3A_565 : memref<1x64xi32, #tpu.memory_space<vmem>> -> memref<64xi32, #tpu.memory_space<vmem>>
    %dma_wait3A_567 = arith.constant 0 : i32
    %dma_wait3A_568 = tpu.memref_slice %arg2[%dma_wait3A_567] : memref<115200xf32, #tpu.memory_space<hbm>> -> memref<115200xf32, #tpu.memory_space<hbm>>
    tpu.wait_indirect_dma semaphore(%arg14 : memref<!tpu.dma_semaphore, #tpu.memory_space<semaphore_mem>>) src(%dma_wait3A_568 : memref<115200xf32, #tpu.memory_space<hbm>>) dst(%dma_wait3A_563 : memref<64xf32, #tpu.memory_space<vmem>>)
    %dma_wait3A_569 = arith.constant 2 : i32
    %dma_wait3A_570 = arith.constant 2 : i32
    %dma_wait3A_571 = arith.constant 0 : i32
    %dma_wait3A_572 = tpu.memref_slice %arg10[%dma_wait3A_570, %dma_wait3A_571] : memref<4x64xf32, #tpu.memory_space<vmem>> -> memref<1x64xf32, #tpu.memory_space<vmem>>
    %dma_wait3A_573 = tpu.memref_squeeze %dma_wait3A_572 : memref<1x64xf32, #tpu.memory_space<vmem>> -> memref<64xf32, #tpu.memory_space<vmem>>
    %dma_wait3A_574 = arith.constant 0 : i32
    %dma_wait3A_575 = tpu.memref_slice %arg8[%dma_wait3A_569, %dma_wait3A_574] : memref<4x64xi32, #tpu.memory_space<vmem>> -> memref<1x64xi32, #tpu.memory_space<vmem>>
    %dma_wait3A_576 = tpu.memref_squeeze %dma_wait3A_575 : memref<1x64xi32, #tpu.memory_space<vmem>> -> memref<64xi32, #tpu.memory_space<vmem>>
    %dma_wait3A_577 = arith.constant 0 : i32
    %dma_wait3A_578 = tpu.memref_slice %arg3[%dma_wait3A_577] : memref<6400xf32, #tpu.memory_space<hbm>> -> memref<6400xf32, #tpu.memory_space<hbm>>
    tpu.wait_indirect_dma semaphore(%arg14 : memref<!tpu.dma_semaphore, #tpu.memory_space<semaphore_mem>>) src(%dma_wait3A_578 : memref<6400xf32, #tpu.memory_space<hbm>>) dst(%dma_wait3A_573 : memref<64xf32, #tpu.memory_space<vmem>>)
    %dma_wait3A_579 = arith.constant 3 : i32
    %dma_wait3A_580 = arith.constant 3 : i32
    %dma_wait3A_581 = arith.constant 0 : i32
    %dma_wait3A_582 = tpu.memref_slice %arg9[%dma_wait3A_580, %dma_wait3A_581] : memref<4x64xf32, #tpu.memory_space<vmem>> -> memref<1x64xf32, #tpu.memory_space<vmem>>
    %dma_wait3A_583 = tpu.memref_squeeze %dma_wait3A_582 : memref<1x64xf32, #tpu.memory_space<vmem>> -> memref<64xf32, #tpu.memory_space<vmem>>
    %dma_wait3A_584 = arith.constant 0 : i32
    %dma_wait3A_585 = tpu.memref_slice %arg7[%dma_wait3A_579, %dma_wait3A_584] : memref<4x64xi32, #tpu.memory_space<vmem>> -> memref<1x64xi32, #tpu.memory_space<vmem>>
    %dma_wait3A_586 = tpu.memref_squeeze %dma_wait3A_585 : memref<1x64xi32, #tpu.memory_space<vmem>> -> memref<64xi32, #tpu.memory_space<vmem>>
    %dma_wait3A_587 = arith.constant 0 : i32
    %dma_wait3A_588 = tpu.memref_slice %arg2[%dma_wait3A_587] : memref<115200xf32, #tpu.memory_space<hbm>> -> memref<115200xf32, #tpu.memory_space<hbm>>
    tpu.wait_indirect_dma semaphore(%arg14 : memref<!tpu.dma_semaphore, #tpu.memory_space<semaphore_mem>>) src(%dma_wait3A_588 : memref<115200xf32, #tpu.memory_space<hbm>>) dst(%dma_wait3A_583 : memref<64xf32, #tpu.memory_space<vmem>>)
    %dma_wait3A_589 = arith.constant 3 : i32
    %dma_wait3A_590 = arith.constant 3 : i32
    %dma_wait3A_591 = arith.constant 0 : i32
    %dma_wait3A_592 = tpu.memref_slice %arg10[%dma_wait3A_590, %dma_wait3A_591] : memref<4x64xf32, #tpu.memory_space<vmem>> -> memref<1x64xf32, #tpu.memory_space<vmem>>
    %dma_wait3A_593 = tpu.memref_squeeze %dma_wait3A_592 : memref<1x64xf32, #tpu.memory_space<vmem>> -> memref<64xf32, #tpu.memory_space<vmem>>
    %dma_wait3A_594 = arith.constant 0 : i32
    %dma_wait3A_595 = tpu.memref_slice %arg8[%dma_wait3A_589, %dma_wait3A_594] : memref<4x64xi32, #tpu.memory_space<vmem>> -> memref<1x64xi32, #tpu.memory_space<vmem>>
    %dma_wait3A_596 = tpu.memref_squeeze %dma_wait3A_595 : memref<1x64xi32, #tpu.memory_space<vmem>> -> memref<64xi32, #tpu.memory_space<vmem>>
    %dma_wait3A_597 = arith.constant 0 : i32
    %dma_wait3A_598 = tpu.memref_slice %arg3[%dma_wait3A_597] : memref<6400xf32, #tpu.memory_space<hbm>> -> memref<6400xf32, #tpu.memory_space<hbm>>
    tpu.wait_indirect_dma semaphore(%arg14 : memref<!tpu.dma_semaphore, #tpu.memory_space<semaphore_mem>>) src(%dma_wait3A_598 : memref<6400xf32, #tpu.memory_space<hbm>>) dst(%dma_wait3A_593 : memref<64xf32, #tpu.memory_space<vmem>>)
    %add3A_599 = arith.constant 0 : i32
    %add3A_600 = vector.broadcast %add3A_599 : i32 to vector<16xi32>
    %add3A_601 = arith.addi %iota3A, %add3A_600 : vector<16xi32>
    %lt3A_602 = arith.constant 50 : i32
    %lt3A_603 = vector.broadcast %lt3A_602 : i32 to vector<16xi32>
    %lt3A_604 = arith.cmpi slt, %add3A_601, %lt3A_603 : vector<16xi32>
    %get3A_605 = arith.constant 0 : i32
    %get3A_606 = arith.index_cast %get3A_605 : i32 to index
    %get3A_607 = arith.constant 0 : index
    %get3A_608 = tpu.vector_load %arg9[%get3A_606, %get3A_607] {strides = array<i32>} : memref<4x64xf32, #tpu.memory_space<vmem>>, vector<1x16xf32>,
    %get3A_609 = vector.shape_cast %get3A_608 : vector<1x16xf32> to vector<16xf32>
    %get3A_610 = arith.constant 0 : i32
    %get3A_611 = arith.index_cast %get3A_610 : i32 to index
    %get3A_612 = arith.constant 0 : index
    %get3A_613 = tpu.vector_load %arg10[%get3A_611, %get3A_612] {strides = array<i32>} : memref<4x64xf32, #tpu.memory_space<vmem>>, vector<1x16xf32>,
    %get3A_614 = vector.shape_cast %get3A_613 : vector<1x16xf32> to vector<16xf32>
    %sub3A_615 = arith.subf %get3A_609, %get3A_614 : vector<16xf32>
    %abs3A_616 = math.absf %sub3A_615 : vector<16xf32>
    %jit3A_617 = arith.constant 0.000000e+00 : f32
    %broadcast_in_dim3A_618 = vector.broadcast %jit3A_617 : f32 to vector<16xf32>
    %select_n3A_619 = arith.select %lt3A_604, %abs3A_616, %broadcast_in_dim3A_618 : vector<16xi1>, vector<16xf32>
    %add3A_620 = arith.addf %add3A_434, %select_n3A_619 : vector<16xf32>
    %get3A_621 = arith.constant 1 : i32
    %get3A_622 = arith.index_cast %get3A_621 : i32 to index
    %get3A_623 = arith.constant 0 : index
    %get3A_624 = tpu.vector_load %arg9[%get3A_622, %get3A_623] {strides = array<i32>} : memref<4x64xf32, #tpu.memory_space<vmem>>, vector<1x16xf32>,
    %get3A_625 = vector.shape_cast %get3A_624 : vector<1x16xf32> to vector<16xf32>
    %get3A_626 = arith.constant 1 : i32
    %get3A_627 = arith.index_cast %get3A_626 : i32 to index
    %get3A_628 = arith.constant 0 : index
    %get3A_629 = tpu.vector_load %arg10[%get3A_627, %get3A_628] {strides = array<i32>} : memref<4x64xf32, #tpu.memory_space<vmem>>, vector<1x16xf32>,
    %get3A_630 = vector.shape_cast %get3A_629 : vector<1x16xf32> to vector<16xf32>
    %sub3A_631 = arith.subf %get3A_625, %get3A_630 : vector<16xf32>
    %abs3A_632 = math.absf %sub3A_631 : vector<16xf32>
    %jit3A_633 = arith.constant 0.000000e+00 : f32
    %broadcast_in_dim3A_634 = vector.broadcast %jit3A_633 : f32 to vector<16xf32>
    %select_n3A_635 = arith.select %lt3A_604, %abs3A_632, %broadcast_in_dim3A_634 : vector<16xi1>, vector<16xf32>
    %add3A_636 = arith.addf %add3A_620, %select_n3A_635 : vector<16xf32>
    %get3A_637 = arith.constant 2 : i32
    %get3A_638 = arith.index_cast %get3A_637 : i32 to index
    %get3A_639 = arith.constant 0 : index
    %get3A_640 = tpu.vector_load %arg9[%get3A_638, %get3A_639] {strides = array<i32>} : memref<4x64xf32, #tpu.memory_space<vmem>>, vector<1x16xf32>,
    %get3A_641 = vector.shape_cast %get3A_640 : vector<1x16xf32> to vector<16xf32>
    %get3A_642 = arith.constant 2 : i32
    %get3A_643 = arith.index_cast %get3A_642 : i32 to index
    %get3A_644 = arith.constant 0 : index
    %get3A_645 = tpu.vector_load %arg10[%get3A_643, %get3A_644] {strides = array<i32>} : memref<4x64xf32, #tpu.memory_space<vmem>>, vector<1x16xf32>,
    %get3A_646 = vector.shape_cast %get3A_645 : vector<1x16xf32> to vector<16xf32>
    %sub3A_647 = arith.subf %get3A_641, %get3A_646 : vector<16xf32>
    %abs3A_648 = math.absf %sub3A_647 : vector<16xf32>
    %jit3A_649 = arith.constant 0.000000e+00 : f32
    %broadcast_in_dim3A_650 = vector.broadcast %jit3A_649 : f32 to vector<16xf32>
    %select_n3A_651 = arith.select %lt3A_604, %abs3A_648, %broadcast_in_dim3A_650 : vector<16xi1>, vector<16xf32>
    %add3A_652 = arith.addf %add3A_636, %select_n3A_651 : vector<16xf32>
    %get3A_653 = arith.constant 3 : i32
    %get3A_654 = arith.index_cast %get3A_653 : i32 to index
    %get3A_655 = arith.constant 0 : index
    %get3A_656 = tpu.vector_load %arg9[%get3A_654, %get3A_655] {strides = array<i32>} : memref<4x64xf32, #tpu.memory_space<vmem>>, vector<1x16xf32>,
    %get3A_657 = vector.shape_cast %get3A_656 : vector<1x16xf32> to vector<16xf32>
    %get3A_658 = arith.constant 3 : i32
    %get3A_659 = arith.index_cast %get3A_658 : i32 to index
    %get3A_660 = arith.constant 0 : index
    %get3A_661 = tpu.vector_load %arg10[%get3A_659, %get3A_660] {strides = array<i32>} : memref<4x64xf32, #tpu.memory_space<vmem>>, vector<1x16xf32>,
    %get3A_662 = vector.shape_cast %get3A_661 : vector<1x16xf32> to vector<16xf32>
    %sub3A_663 = arith.subf %get3A_657, %get3A_662 : vector<16xf32>
    %abs3A_664 = math.absf %sub3A_663 : vector<16xf32>
    %jit3A_665 = arith.constant 0.000000e+00 : f32
    %broadcast_in_dim3A_666 = vector.broadcast %jit3A_665 : f32 to vector<16xf32>
    %select_n3A_667 = arith.select %lt3A_604, %abs3A_664, %broadcast_in_dim3A_666 : vector<16xi1>, vector<16xf32>
    %add3A_668 = arith.addf %add3A_652, %select_n3A_667 : vector<16xf32>
    %add3A_669 = arith.constant 16 : i32
    %add3A_670 = vector.broadcast %add3A_669 : i32 to vector<16xi32>
    %add3A_671 = arith.addi %iota3A, %add3A_670 : vector<16xi32>
    %lt3A_672 = arith.constant 50 : i32
    %lt3A_673 = vector.broadcast %lt3A_672 : i32 to vector<16xi32>
    %lt3A_674 = arith.cmpi slt, %add3A_671, %lt3A_673 : vector<16xi32>
    %get3A_675 = arith.constant 0 : i32
    %get3A_676 = arith.index_cast %get3A_675 : i32 to index
    %get3A_677 = arith.constant 16 : index
    %get3A_678 = tpu.vector_load %arg9[%get3A_676, %get3A_677] {strides = array<i32>} : memref<4x64xf32, #tpu.memory_space<vmem>>, vector<1x16xf32>,
    %get3A_679 = vector.shape_cast %get3A_678 : vector<1x16xf32> to vector<16xf32>
    %get3A_680 = arith.constant 0 : i32
    %get3A_681 = arith.index_cast %get3A_680 : i32 to index
    %get3A_682 = arith.constant 16 : index
    %get3A_683 = tpu.vector_load %arg10[%get3A_681, %get3A_682] {strides = array<i32>} : memref<4x64xf32, #tpu.memory_space<vmem>>, vector<1x16xf32>,
    %get3A_684 = vector.shape_cast %get3A_683 : vector<1x16xf32> to vector<16xf32>
    %sub3A_685 = arith.subf %get3A_679, %get3A_684 : vector<16xf32>
    %abs3A_686 = math.absf %sub3A_685 : vector<16xf32>
    %jit3A_687 = arith.constant 0.000000e+00 : f32
    %broadcast_in_dim3A_688 = vector.broadcast %jit3A_687 : f32 to vector<16xf32>
    %select_n3A_689 = arith.select %lt3A_674, %abs3A_686, %broadcast_in_dim3A_688 : vector<16xi1>, vector<16xf32>
    %add3A_690 = arith.addf %add3A_668, %select_n3A_689 : vector<16xf32>
    %get3A_691 = arith.constant 1 : i32
    %get3A_692 = arith.index_cast %get3A_691 : i32 to index
    %get3A_693 = arith.constant 16 : index
    %get3A_694 = tpu.vector_load %arg9[%get3A_692, %get3A_693] {strides = array<i32>} : memref<4x64xf32, #tpu.memory_space<vmem>>, vector<1x16xf32>,
    %get3A_695 = vector.shape_cast %get3A_694 : vector<1x16xf32> to vector<16xf32>
    %get3A_696 = arith.constant 1 : i32
    %get3A_697 = arith.index_cast %get3A_696 : i32 to index
    %get3A_698 = arith.constant 16 : index
    %get3A_699 = tpu.vector_load %arg10[%get3A_697, %get3A_698] {strides = array<i32>} : memref<4x64xf32, #tpu.memory_space<vmem>>, vector<1x16xf32>,
    %get3A_700 = vector.shape_cast %get3A_699 : vector<1x16xf32> to vector<16xf32>
    %sub3A_701 = arith.subf %get3A_695, %get3A_700 : vector<16xf32>
    %abs3A_702 = math.absf %sub3A_701 : vector<16xf32>
    %jit3A_703 = arith.constant 0.000000e+00 : f32
    %broadcast_in_dim3A_704 = vector.broadcast %jit3A_703 : f32 to vector<16xf32>
    %select_n3A_705 = arith.select %lt3A_674, %abs3A_702, %broadcast_in_dim3A_704 : vector<16xi1>, vector<16xf32>
    %add3A_706 = arith.addf %add3A_690, %select_n3A_705 : vector<16xf32>
    %get3A_707 = arith.constant 2 : i32
    %get3A_708 = arith.index_cast %get3A_707 : i32 to index
    %get3A_709 = arith.constant 16 : index
    %get3A_710 = tpu.vector_load %arg9[%get3A_708, %get3A_709] {strides = array<i32>} : memref<4x64xf32, #tpu.memory_space<vmem>>, vector<1x16xf32>,
    %get3A_711 = vector.shape_cast %get3A_710 : vector<1x16xf32> to vector<16xf32>
    %get3A_712 = arith.constant 2 : i32
    %get3A_713 = arith.index_cast %get3A_712 : i32 to index
    %get3A_714 = arith.constant 16 : index
    %get3A_715 = tpu.vector_load %arg10[%get3A_713, %get3A_714] {strides = array<i32>} : memref<4x64xf32, #tpu.memory_space<vmem>>, vector<1x16xf32>,
    %get3A_716 = vector.shape_cast %get3A_715 : vector<1x16xf32> to vector<16xf32>
    %sub3A_717 = arith.subf %get3A_711, %get3A_716 : vector<16xf32>
    %abs3A_718 = math.absf %sub3A_717 : vector<16xf32>
    %jit3A_719 = arith.constant 0.000000e+00 : f32
    %broadcast_in_dim3A_720 = vector.broadcast %jit3A_719 : f32 to vector<16xf32>
    %select_n3A_721 = arith.select %lt3A_674, %abs3A_718, %broadcast_in_dim3A_720 : vector<16xi1>, vector<16xf32>
    %add3A_722 = arith.addf %add3A_706, %select_n3A_721 : vector<16xf32>
    %get3A_723 = arith.constant 3 : i32
    %get3A_724 = arith.index_cast %get3A_723 : i32 to index
    %get3A_725 = arith.constant 16 : index
    %get3A_726 = tpu.vector_load %arg9[%get3A_724, %get3A_725] {strides = array<i32>} : memref<4x64xf32, #tpu.memory_space<vmem>>, vector<1x16xf32>,
    %get3A_727 = vector.shape_cast %get3A_726 : vector<1x16xf32> to vector<16xf32>
    %get3A_728 = arith.constant 3 : i32
    %get3A_729 = arith.index_cast %get3A_728 : i32 to index
    %get3A_730 = arith.constant 16 : index
    %get3A_731 = tpu.vector_load %arg10[%get3A_729, %get3A_730] {strides = array<i32>} : memref<4x64xf32, #tpu.memory_space<vmem>>, vector<1x16xf32>,
    %get3A_732 = vector.shape_cast %get3A_731 : vector<1x16xf32> to vector<16xf32>
    %sub3A_733 = arith.subf %get3A_727, %get3A_732 : vector<16xf32>
    %abs3A_734 = math.absf %sub3A_733 : vector<16xf32>
    %jit3A_735 = arith.constant 0.000000e+00 : f32
    %broadcast_in_dim3A_736 = vector.broadcast %jit3A_735 : f32 to vector<16xf32>
    %select_n3A_737 = arith.select %lt3A_674, %abs3A_734, %broadcast_in_dim3A_736 : vector<16xi1>, vector<16xf32>
    %add3A_738 = arith.addf %add3A_722, %select_n3A_737 : vector<16xf32>
    %add3A_739 = arith.constant 32 : i32
    %add3A_740 = vector.broadcast %add3A_739 : i32 to vector<16xi32>
    %add3A_741 = arith.addi %iota3A, %add3A_740 : vector<16xi32>
    %lt3A_742 = arith.constant 50 : i32
    %lt3A_743 = vector.broadcast %lt3A_742 : i32 to vector<16xi32>
    %lt3A_744 = arith.cmpi slt, %add3A_741, %lt3A_743 : vector<16xi32>
    %get3A_745 = arith.constant 0 : i32
    %get3A_746 = arith.index_cast %get3A_745 : i32 to index
    %get3A_747 = arith.constant 32 : index
    %get3A_748 = tpu.vector_load %arg9[%get3A_746, %get3A_747] {strides = array<i32>} : memref<4x64xf32, #tpu.memory_space<vmem>>, vector<1x16xf32>,
    %get3A_749 = vector.shape_cast %get3A_748 : vector<1x16xf32> to vector<16xf32>
    %get3A_750 = arith.constant 0 : i32
    %get3A_751 = arith.index_cast %get3A_750 : i32 to index
    %get3A_752 = arith.constant 32 : index
    %get3A_753 = tpu.vector_load %arg10[%get3A_751, %get3A_752] {strides = array<i32>} : memref<4x64xf32, #tpu.memory_space<vmem>>, vector<1x16xf32>,
    %get3A_754 = vector.shape_cast %get3A_753 : vector<1x16xf32> to vector<16xf32>
    %sub3A_755 = arith.subf %get3A_749, %get3A_754 : vector<16xf32>
    %abs3A_756 = math.absf %sub3A_755 : vector<16xf32>
    %jit3A_757 = arith.constant 0.000000e+00 : f32
    %broadcast_in_dim3A_758 = vector.broadcast %jit3A_757 : f32 to vector<16xf32>
    %select_n3A_759 = arith.select %lt3A_744, %abs3A_756, %broadcast_in_dim3A_758 : vector<16xi1>, vector<16xf32>
    %add3A_760 = arith.addf %add3A_738, %select_n3A_759 : vector<16xf32>
    %get3A_761 = arith.constant 1 : i32
    %get3A_762 = arith.index_cast %get3A_761 : i32 to index
    %get3A_763 = arith.constant 32 : index
    %get3A_764 = tpu.vector_load %arg9[%get3A_762, %get3A_763] {strides = array<i32>} : memref<4x64xf32, #tpu.memory_space<vmem>>, vector<1x16xf32>,
    %get3A_765 = vector.shape_cast %get3A_764 : vector<1x16xf32> to vector<16xf32>
    %get3A_766 = arith.constant 1 : i32
    %get3A_767 = arith.index_cast %get3A_766 : i32 to index
    %get3A_768 = arith.constant 32 : index
    %get3A_769 = tpu.vector_load %arg10[%get3A_767, %get3A_768] {strides = array<i32>} : memref<4x64xf32, #tpu.memory_space<vmem>>, vector<1x16xf32>,
    %get3A_770 = vector.shape_cast %get3A_769 : vector<1x16xf32> to vector<16xf32>
    %sub3A_771 = arith.subf %get3A_765, %get3A_770 : vector<16xf32>
    %abs3A_772 = math.absf %sub3A_771 : vector<16xf32>
    %jit3A_773 = arith.constant 0.000000e+00 : f32
    %broadcast_in_dim3A_774 = vector.broadcast %jit3A_773 : f32 to vector<16xf32>
    %select_n3A_775 = arith.select %lt3A_744, %abs3A_772, %broadcast_in_dim3A_774 : vector<16xi1>, vector<16xf32>
    %add3A_776 = arith.addf %add3A_760, %select_n3A_775 : vector<16xf32>
    %get3A_777 = arith.constant 2 : i32
    %get3A_778 = arith.index_cast %get3A_777 : i32 to index
    %get3A_779 = arith.constant 32 : index
    %get3A_780 = tpu.vector_load %arg9[%get3A_778, %get3A_779] {strides = array<i32>} : memref<4x64xf32, #tpu.memory_space<vmem>>, vector<1x16xf32>,
    %get3A_781 = vector.shape_cast %get3A_780 : vector<1x16xf32> to vector<16xf32>
    %get3A_782 = arith.constant 2 : i32
    %get3A_783 = arith.index_cast %get3A_782 : i32 to index
    %get3A_784 = arith.constant 32 : index
    %get3A_785 = tpu.vector_load %arg10[%get3A_783, %get3A_784] {strides = array<i32>} : memref<4x64xf32, #tpu.memory_space<vmem>>, vector<1x16xf32>,
    %get3A_786 = vector.shape_cast %get3A_785 : vector<1x16xf32> to vector<16xf32>
    %sub3A_787 = arith.subf %get3A_781, %get3A_786 : vector<16xf32>
    %abs3A_788 = math.absf %sub3A_787 : vector<16xf32>
    %jit3A_789 = arith.constant 0.000000e+00 : f32
    %broadcast_in_dim3A_790 = vector.broadcast %jit3A_789 : f32 to vector<16xf32>
    %select_n3A_791 = arith.select %lt3A_744, %abs3A_788, %broadcast_in_dim3A_790 : vector<16xi1>, vector<16xf32>
    %add3A_792 = arith.addf %add3A_776, %select_n3A_791 : vector<16xf32>
    %get3A_793 = arith.constant 3 : i32
    %get3A_794 = arith.index_cast %get3A_793 : i32 to index
    %get3A_795 = arith.constant 32 : index
    %get3A_796 = tpu.vector_load %arg9[%get3A_794, %get3A_795] {strides = array<i32>} : memref<4x64xf32, #tpu.memory_space<vmem>>, vector<1x16xf32>,
    %get3A_797 = vector.shape_cast %get3A_796 : vector<1x16xf32> to vector<16xf32>
    %get3A_798 = arith.constant 3 : i32
    %get3A_799 = arith.index_cast %get3A_798 : i32 to index
    %get3A_800 = arith.constant 32 : index
    %get3A_801 = tpu.vector_load %arg10[%get3A_799, %get3A_800] {strides = array<i32>} : memref<4x64xf32, #tpu.memory_space<vmem>>, vector<1x16xf32>,
    %get3A_802 = vector.shape_cast %get3A_801 : vector<1x16xf32> to vector<16xf32>
    %sub3A_803 = arith.subf %get3A_797, %get3A_802 : vector<16xf32>
    %abs3A_804 = math.absf %sub3A_803 : vector<16xf32>
    %jit3A_805 = arith.constant 0.000000e+00 : f32
    %broadcast_in_dim3A_806 = vector.broadcast %jit3A_805 : f32 to vector<16xf32>
    %select_n3A_807 = arith.select %lt3A_744, %abs3A_804, %broadcast_in_dim3A_806 : vector<16xi1>, vector<16xf32>
    %add3A_808 = arith.addf %add3A_792, %select_n3A_807 : vector<16xf32>
    %add3A_809 = arith.constant 48 : i32
    %add3A_810 = vector.broadcast %add3A_809 : i32 to vector<16xi32>
    %add3A_811 = arith.addi %iota3A, %add3A_810 : vector<16xi32>
    %lt3A_812 = arith.constant 50 : i32
    %lt3A_813 = vector.broadcast %lt3A_812 : i32 to vector<16xi32>
    %lt3A_814 = arith.cmpi slt, %add3A_811, %lt3A_813 : vector<16xi32>
    %get3A_815 = arith.constant 0 : i32
    %get3A_816 = arith.index_cast %get3A_815 : i32 to index
    %get3A_817 = arith.constant 48 : index
    %get3A_818 = tpu.vector_load %arg9[%get3A_816, %get3A_817] {strides = array<i32>} : memref<4x64xf32, #tpu.memory_space<vmem>>, vector<1x16xf32>,
    %get3A_819 = vector.shape_cast %get3A_818 : vector<1x16xf32> to vector<16xf32>
    %get3A_820 = arith.constant 0 : i32
    %get3A_821 = arith.index_cast %get3A_820 : i32 to index
    %get3A_822 = arith.constant 48 : index
    %get3A_823 = tpu.vector_load %arg10[%get3A_821, %get3A_822] {strides = array<i32>} : memref<4x64xf32, #tpu.memory_space<vmem>>, vector<1x16xf32>,
    %get3A_824 = vector.shape_cast %get3A_823 : vector<1x16xf32> to vector<16xf32>
    %sub3A_825 = arith.subf %get3A_819, %get3A_824 : vector<16xf32>
    %abs3A_826 = math.absf %sub3A_825 : vector<16xf32>
    %jit3A_827 = arith.constant 0.000000e+00 : f32
    %broadcast_in_dim3A_828 = vector.broadcast %jit3A_827 : f32 to vector<16xf32>
    %select_n3A_829 = arith.select %lt3A_814, %abs3A_826, %broadcast_in_dim3A_828 : vector<16xi1>, vector<16xf32>
    %add3A_830 = arith.addf %add3A_808, %select_n3A_829 : vector<16xf32>
    %get3A_831 = arith.constant 1 : i32
    %get3A_832 = arith.index_cast %get3A_831 : i32 to index
    %get3A_833 = arith.constant 48 : index
    %get3A_834 = tpu.vector_load %arg9[%get3A_832, %get3A_833] {strides = array<i32>} : memref<4x64xf32, #tpu.memory_space<vmem>>, vector<1x16xf32>,
    %get3A_835 = vector.shape_cast %get3A_834 : vector<1x16xf32> to vector<16xf32>
    %get3A_836 = arith.constant 1 : i32
    %get3A_837 = arith.index_cast %get3A_836 : i32 to index
    %get3A_838 = arith.constant 48 : index
    %get3A_839 = tpu.vector_load %arg10[%get3A_837, %get3A_838] {strides = array<i32>} : memref<4x64xf32, #tpu.memory_space<vmem>>, vector<1x16xf32>,
    %get3A_840 = vector.shape_cast %get3A_839 : vector<1x16xf32> to vector<16xf32>
    %sub3A_841 = arith.subf %get3A_835, %get3A_840 : vector<16xf32>
    %abs3A_842 = math.absf %sub3A_841 : vector<16xf32>
    %jit3A_843 = arith.constant 0.000000e+00 : f32
    %broadcast_in_dim3A_844 = vector.broadcast %jit3A_843 : f32 to vector<16xf32>
    %select_n3A_845 = arith.select %lt3A_814, %abs3A_842, %broadcast_in_dim3A_844 : vector<16xi1>, vector<16xf32>
    %add3A_846 = arith.addf %add3A_830, %select_n3A_845 : vector<16xf32>
    %get3A_847 = arith.constant 2 : i32
    %get3A_848 = arith.index_cast %get3A_847 : i32 to index
    %get3A_849 = arith.constant 48 : index
    %get3A_850 = tpu.vector_load %arg9[%get3A_848, %get3A_849] {strides = array<i32>} : memref<4x64xf32, #tpu.memory_space<vmem>>, vector<1x16xf32>,
    %get3A_851 = vector.shape_cast %get3A_850 : vector<1x16xf32> to vector<16xf32>
    %get3A_852 = arith.constant 2 : i32
    %get3A_853 = arith.index_cast %get3A_852 : i32 to index
    %get3A_854 = arith.constant 48 : index
    %get3A_855 = tpu.vector_load %arg10[%get3A_853, %get3A_854] {strides = array<i32>} : memref<4x64xf32, #tpu.memory_space<vmem>>, vector<1x16xf32>,
    %get3A_856 = vector.shape_cast %get3A_855 : vector<1x16xf32> to vector<16xf32>
    %sub3A_857 = arith.subf %get3A_851, %get3A_856 : vector<16xf32>
    %abs3A_858 = math.absf %sub3A_857 : vector<16xf32>
    %jit3A_859 = arith.constant 0.000000e+00 : f32
    %broadcast_in_dim3A_860 = vector.broadcast %jit3A_859 : f32 to vector<16xf32>
    %select_n3A_861 = arith.select %lt3A_814, %abs3A_858, %broadcast_in_dim3A_860 : vector<16xi1>, vector<16xf32>
    %add3A_862 = arith.addf %add3A_846, %select_n3A_861 : vector<16xf32>
    %get3A_863 = arith.constant 3 : i32
    %get3A_864 = arith.index_cast %get3A_863 : i32 to index
    %get3A_865 = arith.constant 48 : index
    %get3A_866 = tpu.vector_load %arg9[%get3A_864, %get3A_865] {strides = array<i32>} : memref<4x64xf32, #tpu.memory_space<vmem>>, vector<1x16xf32>,
    %get3A_867 = vector.shape_cast %get3A_866 : vector<1x16xf32> to vector<16xf32>
    %get3A_868 = arith.constant 3 : i32
    %get3A_869 = arith.index_cast %get3A_868 : i32 to index
    %get3A_870 = arith.constant 48 : index
    %get3A_871 = tpu.vector_load %arg10[%get3A_869, %get3A_870] {strides = array<i32>} : memref<4x64xf32, #tpu.memory_space<vmem>>, vector<1x16xf32>,
    %get3A_872 = vector.shape_cast %get3A_871 : vector<1x16xf32> to vector<16xf32>
    %sub3A_873 = arith.subf %get3A_867, %get3A_872 : vector<16xf32>
    %abs3A_874 = math.absf %sub3A_873 : vector<16xf32>
    %jit3A_875 = arith.constant 0.000000e+00 : f32
    %broadcast_in_dim3A_876 = vector.broadcast %jit3A_875 : f32 to vector<16xf32>
    %select_n3A_877 = arith.select %lt3A_814, %abs3A_874, %broadcast_in_dim3A_876 : vector<16xi1>, vector<16xf32>
    %add3A_878 = arith.addf %add3A_862, %select_n3A_877 : vector<16xf32>
    %mul3A_879 = arith.constant 7.812500e-04 : f32
    %mul3A_880 = vector.broadcast %mul3A_879 : f32 to vector<16xf32>
    %mul3A_881 = arith.mulf %add3A_878, %mul3A_880 : vector<16xf32>
    %swap3A = arith.constant 0 : index
    %swap3A_882 = tpu.vector_load %arg11[%swap3A] {strides = array<i32>} : memref<16xf32, #tpu.memory_space<vmem>>, vector<16xf32>,
    %swap3A_883 = vector.shape_cast %swap3A_882 : vector<16xf32> to vector<16xf32>
    %swap3A_884 = vector.shape_cast %mul3A_881 : vector<16xf32> to vector<16xf32>
    tpu.vector_store %arg11[%swap3A], %swap3A_884 {strides = array<i32>} : memref<16xf32, #tpu.memory_space<vmem>>, vector<16xf32>,
    %mul3A_885 = arith.constant 16 : i32
    %mul3A_886 = arith.muli %arg1, %mul3A_885 : i32
    "tpu.region"() ({
      %run_scoped3A = tpu.sem_alloc : memref<!tpu.dma_semaphore, #tpu.memory_space<semaphore_mem>>
      %dma_start3A_889 = tpu.memref_slice %arg13[%mul3A_886] : memref<256xf32, #tpu.memory_space<vmem_shared>> -> memref<16xf32, #tpu.memory_space<vmem_shared>>
      %dma_start3A_890 = tpu.memref_slice %arg13[%mul3A_886] : memref<256xf32, #tpu.memory_space<vmem_shared>> -> memref<16xf32, #tpu.memory_space<vmem_shared>>
      tpu.enqueue_dma source(%arg11 : memref<16xf32, #tpu.memory_space<vmem>>) target(%dma_start3A_890 : memref<16xf32, #tpu.memory_space<vmem_shared>>) target_semaphore(%run_scoped3A : memref<!tpu.dma_semaphore, #tpu.memory_space<semaphore_mem>>)
      %dma_wait3A_891 = tpu.memref_slice %arg13[%mul3A_886] : memref<256xf32, #tpu.memory_space<vmem_shared>> -> memref<16xf32, #tpu.memory_space<vmem_shared>>
      %dma_wait3A_892 = tpu.memref_slice %arg13[%mul3A_886] : memref<256xf32, #tpu.memory_space<vmem_shared>> -> memref<16xf32, #tpu.memory_space<vmem_shared>>
      tpu.wait_dma2 semaphore(%run_scoped3A : memref<!tpu.dma_semaphore, #tpu.memory_space<semaphore_mem>>) src(%arg11 : memref<16xf32, #tpu.memory_space<vmem>>) dst(%dma_wait3A_892 : memref<16xf32, #tpu.memory_space<vmem_shared>>)
      tpu.yield
    }) : () -> ()
    %barrier3A = arith.constant 0 : index
    tpu.barrier barrier_id(%barrier3A)
    %eq3A = arith.constant 0 : i32
    %eq3A_887 = arith.cmpi eq, %arg1, %eq3A : i32
    %convert_element_type3A = arith.extui %eq3A_887 : i1 to i32
    %cond3A = arith.constant 0 : i32
    %cond3A_888 = arith.cmpi ne, %convert_element_type3A, %cond3A : i32
    scf.if %cond3A_888 {
      "tpu.region"() ({
        %run_scoped3A = tpu.sem_alloc : memref<!tpu.dma_semaphore, #tpu.memory_space<semaphore_mem>>
        tpu.enqueue_dma source(%arg13 : memref<256xf32, #tpu.memory_space<vmem_shared>>) target(%arg12 : memref<256xf32, #tpu.memory_space<vmem>>) target_semaphore(%run_scoped3A : memref<!tpu.dma_semaphore, #tpu.memory_space<semaphore_mem>>)
        tpu.wait_dma2 semaphore(%run_scoped3A : memref<!tpu.dma_semaphore, #tpu.memory_space<semaphore_mem>>) src(%arg13 : memref<256xf32, #tpu.memory_space<vmem_shared>>) dst(%arg12 : memref<256xf32, #tpu.memory_space<vmem>>)
        tpu.yield
      }) : () -> ()
      %get3A_889 = arith.constant 0 : index
      %get3A_890 = tpu.vector_load %arg12[%get3A_889] {strides = array<i32>} : memref<256xf32, #tpu.memory_space<vmem>>, vector<16xf32>,
      %get3A_891 = vector.shape_cast %get3A_890 : vector<16xf32> to vector<16xf32>
      %get3A_892 = arith.constant 16 : index
      %get3A_893 = tpu.vector_load %arg12[%get3A_892] {strides = array<i32>} : memref<256xf32, #tpu.memory_space<vmem>>, vector<16xf32>,
      %get3A_894 = vector.shape_cast %get3A_893 : vector<16xf32> to vector<16xf32>
      %add3A_895 = arith.addf %get3A_891, %get3A_894 : vector<16xf32>
      %get3A_896 = arith.constant 32 : index
      %get3A_897 = tpu.vector_load %arg12[%get3A_896] {strides = array<i32>} : memref<256xf32, #tpu.memory_space<vmem>>, vector<16xf32>,
      %get3A_898 = vector.shape_cast %get3A_897 : vector<16xf32> to vector<16xf32>
      %add3A_899 = arith.addf %add3A_895, %get3A_898 : vector<16xf32>
      %get3A_900 = arith.constant 48 : index
      %get3A_901 = tpu.vector_load %arg12[%get3A_900] {strides = array<i32>} : memref<256xf32, #tpu.memory_space<vmem>>, vector<16xf32>,
      %get3A_902 = vector.shape_cast %get3A_901 : vector<16xf32> to vector<16xf32>
      %add3A_903 = arith.addf %add3A_899, %get3A_902 : vector<16xf32>
      %get3A_904 = arith.constant 64 : index
      %get3A_905 = tpu.vector_load %arg12[%get3A_904] {strides = array<i32>} : memref<256xf32, #tpu.memory_space<vmem>>, vector<16xf32>,
      %get3A_906 = vector.shape_cast %get3A_905 : vector<16xf32> to vector<16xf32>
      %add3A_907 = arith.addf %add3A_903, %get3A_906 : vector<16xf32>
      %get3A_908 = arith.constant 80 : index
      %get3A_909 = tpu.vector_load %arg12[%get3A_908] {strides = array<i32>} : memref<256xf32, #tpu.memory_space<vmem>>, vector<16xf32>,
      %get3A_910 = vector.shape_cast %get3A_909 : vector<16xf32> to vector<16xf32>
      %add3A_911 = arith.addf %add3A_907, %get3A_910 : vector<16xf32>
      %get3A_912 = arith.constant 96 : index
      %get3A_913 = tpu.vector_load %arg12[%get3A_912] {strides = array<i32>} : memref<256xf32, #tpu.memory_space<vmem>>, vector<16xf32>,
      %get3A_914 = vector.shape_cast %get3A_913 : vector<16xf32> to vector<16xf32>
      %add3A_915 = arith.addf %add3A_911, %get3A_914 : vector<16xf32>
      %get3A_916 = arith.constant 112 : index
      %get3A_917 = tpu.vector_load %arg12[%get3A_916] {strides = array<i32>} : memref<256xf32, #tpu.memory_space<vmem>>, vector<16xf32>,
      %get3A_918 = vector.shape_cast %get3A_917 : vector<16xf32> to vector<16xf32>
      %add3A_919 = arith.addf %add3A_915, %get3A_918 : vector<16xf32>
      %get3A_920 = arith.constant 128 : index
      %get3A_921 = tpu.vector_load %arg12[%get3A_920] {strides = array<i32>} : memref<256xf32, #tpu.memory_space<vmem>>, vector<16xf32>,
      %get3A_922 = vector.shape_cast %get3A_921 : vector<16xf32> to vector<16xf32>
      %add3A_923 = arith.addf %add3A_919, %get3A_922 : vector<16xf32>
      %get3A_924 = arith.constant 144 : index
      %get3A_925 = tpu.vector_load %arg12[%get3A_924] {strides = array<i32>} : memref<256xf32, #tpu.memory_space<vmem>>, vector<16xf32>,
      %get3A_926 = vector.shape_cast %get3A_925 : vector<16xf32> to vector<16xf32>
      %add3A_927 = arith.addf %add3A_923, %get3A_926 : vector<16xf32>
      %get3A_928 = arith.constant 160 : index
      %get3A_929 = tpu.vector_load %arg12[%get3A_928] {strides = array<i32>} : memref<256xf32, #tpu.memory_space<vmem>>, vector<16xf32>,
      %get3A_930 = vector.shape_cast %get3A_929 : vector<16xf32> to vector<16xf32>
      %add3A_931 = arith.addf %add3A_927, %get3A_930 : vector<16xf32>
      %get3A_932 = arith.constant 176 : index
      %get3A_933 = tpu.vector_load %arg12[%get3A_932] {strides = array<i32>} : memref<256xf32, #tpu.memory_space<vmem>>, vector<16xf32>,
      %get3A_934 = vector.shape_cast %get3A_933 : vector<16xf32> to vector<16xf32>
      %add3A_935 = arith.addf %add3A_931, %get3A_934 : vector<16xf32>
      %get3A_936 = arith.constant 192 : index
      %get3A_937 = tpu.vector_load %arg12[%get3A_936] {strides = array<i32>} : memref<256xf32, #tpu.memory_space<vmem>>, vector<16xf32>,
      %get3A_938 = vector.shape_cast %get3A_937 : vector<16xf32> to vector<16xf32>
      %add3A_939 = arith.addf %add3A_935, %get3A_938 : vector<16xf32>
      %get3A_940 = arith.constant 208 : index
      %get3A_941 = tpu.vector_load %arg12[%get3A_940] {strides = array<i32>} : memref<256xf32, #tpu.memory_space<vmem>>, vector<16xf32>,
      %get3A_942 = vector.shape_cast %get3A_941 : vector<16xf32> to vector<16xf32>
      %add3A_943 = arith.addf %add3A_939, %get3A_942 : vector<16xf32>
      %get3A_944 = arith.constant 224 : index
      %get3A_945 = tpu.vector_load %arg12[%get3A_944] {strides = array<i32>} : memref<256xf32, #tpu.memory_space<vmem>>, vector<16xf32>,
      %get3A_946 = vector.shape_cast %get3A_945 : vector<16xf32> to vector<16xf32>
      %add3A_947 = arith.addf %add3A_943, %get3A_946 : vector<16xf32>
      %get3A_948 = arith.constant 240 : index
      %get3A_949 = tpu.vector_load %arg12[%get3A_948] {strides = array<i32>} : memref<256xf32, #tpu.memory_space<vmem>>, vector<16xf32>,
      %get3A_950 = vector.shape_cast %get3A_949 : vector<16xf32> to vector<16xf32>
      %add3A_951 = arith.addf %add3A_947, %get3A_950 : vector<16xf32>
      %swap3A_952 = arith.constant 0 : index
      %swap3A_953 = tpu.vector_load %arg11[%swap3A_952] {strides = array<i32>} : memref<16xf32, #tpu.memory_space<vmem>>, vector<16xf32>,
      %swap3A_954 = vector.shape_cast %swap3A_953 : vector<16xf32> to vector<16xf32>
      %swap3A_955 = vector.shape_cast %add3A_951 : vector<16xf32> to vector<16xf32>
      tpu.vector_store %arg11[%swap3A_952], %swap3A_955 {strides = array<i32>} : memref<16xf32, #tpu.memory_space<vmem>>, vector<16xf32>,
      "tpu.region"() ({
        %run_scoped3A = tpu.sem_alloc : memref<!tpu.dma_semaphore, #tpu.memory_space<semaphore_mem>>
        %dma_start3A_956 = arith.constant 0 : i32
        %dma_start3A_957 = tpu.memref_slice %arg6[%arg0, %dma_start3A_956] : memref<1x16xf32, #tpu.memory_space<hbm>> -> memref<1x16xf32, #tpu.memory_space<hbm>>
        %dma_start3A_958 = tpu.memref_squeeze %dma_start3A_957 : memref<1x16xf32, #tpu.memory_space<hbm>> -> memref<16xf32, #tpu.memory_space<hbm>>
        %dma_start3A_959 = arith.constant 0 : i32
        %dma_start3A_960 = tpu.memref_slice %arg6[%arg0, %dma_start3A_959] : memref<1x16xf32, #tpu.memory_space<hbm>> -> memref<1x16xf32, #tpu.memory_space<hbm>>
        %dma_start3A_961 = tpu.memref_squeeze %dma_start3A_960 : memref<1x16xf32, #tpu.memory_space<hbm>> -> memref<16xf32, #tpu.memory_space<hbm>>
        tpu.enqueue_dma source(%arg11 : memref<16xf32, #tpu.memory_space<vmem>>) target(%dma_start3A_961 : memref<16xf32, #tpu.memory_space<hbm>>) target_semaphore(%run_scoped3A : memref<!tpu.dma_semaphore, #tpu.memory_space<semaphore_mem>>)
        %dma_wait3A_962 = arith.constant 0 : i32
        %dma_wait3A_963 = tpu.memref_slice %arg6[%arg0, %dma_wait3A_962] : memref<1x16xf32, #tpu.memory_space<hbm>> -> memref<1x16xf32, #tpu.memory_space<hbm>>
        %dma_wait3A_964 = tpu.memref_squeeze %dma_wait3A_963 : memref<1x16xf32, #tpu.memory_space<hbm>> -> memref<16xf32, #tpu.memory_space<hbm>>
        %dma_wait3A_965 = arith.constant 0 : i32
        %dma_wait3A_966 = tpu.memref_slice %arg6[%arg0, %dma_wait3A_965] : memref<1x16xf32, #tpu.memory_space<hbm>> -> memref<1x16xf32, #tpu.memory_space<hbm>>
        %dma_wait3A_967 = tpu.memref_squeeze %dma_wait3A_966 : memref<1x16xf32, #tpu.memory_space<hbm>> -> memref<16xf32, #tpu.memory_space<hbm>>
        tpu.wait_dma2 semaphore(%run_scoped3A : memref<!tpu.dma_semaphore, #tpu.memory_space<semaphore_mem>>) src(%arg11 : memref<16xf32, #tpu.memory_space<vmem>>) dst(%dma_wait3A_967 : memref<16xf32, #tpu.memory_space<hbm>>)
        tpu.yield
      }) : () -> ()
    } else {
    }
    return
  }
}

module attributes {stable_mosaic.version = 14 : i64} {
  func.func @_ce_cut_body(%arg0: i32, %arg1: memref<1x900x256xf32, #tpu.memory_space<vmem>>, %arg2: memref<32x900xf32, #tpu.memory_space<vmem>>, %arg3: memref<32x50xi32, #tpu.memory_space<vmem>>, %arg4: memref<32x50xi32, #tpu.memory_space<vmem>>, %arg5: memref<32x50xi32, #tpu.memory_space<vmem>>, %arg6: memref<32x50xi32, #tpu.memory_space<vmem>>, %arg7: memref<1x1xf32, #tpu.memory_space<vmem>>) attributes {dimension_semantics = [#tpu.dimension_semantics<arbitrary>], iteration_bounds = array<i64: 32>, scalar_prefetch = 0 : i64, scratch_operands = 0 : i64, tpu.core_type = #tpu.core_type<tc>, window_params = [{transform_indices = @transform_0, window_bounds = array<i64: 1, 900, 256>}, {pipeline_mode = #tpu.pipeline_mode<synchronous>, transform_indices = @transform_1, window_bounds = array<i64: 32, 900>}, {pipeline_mode = #tpu.pipeline_mode<synchronous>, transform_indices = @transform_2, window_bounds = array<i64: 32, 50>}, {pipeline_mode = #tpu.pipeline_mode<synchronous>, transform_indices = @transform_3, window_bounds = array<i64: 32, 50>}, {pipeline_mode = #tpu.pipeline_mode<synchronous>, transform_indices = @transform_4, window_bounds = array<i64: 32, 50>}, {pipeline_mode = #tpu.pipeline_mode<synchronous>, transform_indices = @transform_5, window_bounds = array<i64: 32, 50>}, {pipeline_mode = #tpu.pipeline_mode<synchronous>, transform_indices = @transform_6, window_bounds = array<i64: 1, 1>}]} {
    %get3A = arith.constant 0 : index
    %get3A_0 = arith.constant 0 : index
    %get3A_1 = arith.constant 0 : index
    %get3A_2 = vector.load %arg1[%get3A, %get3A_0, %get3A_1] : memref<1x900x256xf32, #tpu.memory_space<vmem>>, vector<1x900x256xf32>
    %get3A_3 = vector.shape_cast %get3A_2 : vector<1x900x256xf32> to vector<900x256xf32>
    %exp3A = math.exp %get3A_3 : vector<900x256xf32>
    %broadcast_in_dim3A = arith.constant 1.000000e+00 : f32
    %broadcast_in_dim3A_4 = vector.broadcast %broadcast_in_dim3A : f32 to vector<256x1xf32>
    %dot_general3A = arith.constant dense<0.000000e+00> : vector<900x1xf32>
    %dot_general3A_5 = tpu.matmul %exp3A, %broadcast_in_dim3A_4, %dot_general3A {dimension_numbers = #tpu.dot_dimension_numbers<[1], [0], [0], [1], [0, 0, 1, 1], [], []>, transpose_lhs_hint = false} : vector<900x256xf32>, vector<256x1xf32>, vector<900x1xf32> -> vector<900x1xf32>
    %log3A = math.log %dot_general3A_5 : vector<900x1xf32>
    %slice3A = vector.extract_strided_slice %get3A_3 {offsets = [0, 255], sizes = [900, 1], strides = [1, 1]} : vector<900x256xf32> to vector<900x1xf32>
    %sub3A = arith.subf %slice3A, %log3A : vector<900x1xf32>
    %exp3A_6 = math.exp %sub3A : vector<900x1xf32>
    %sub3A_7 = arith.constant 1.000000e+00 : f32
    %sub3A_8 = vector.broadcast %sub3A_7 : f32 to vector<900x1xf32>
    %sub3A_9 = arith.subf %sub3A_8, %exp3A_6 : vector<900x1xf32>
    %integer_pow3A = arith.mulf %sub3A_9, %sub3A_9 : vector<900x1xf32>
    %mul3A = arith.constant -2.500000e-01 : f32
    %mul3A_10 = vector.broadcast %mul3A : f32 to vector<900x1xf32>
    %mul3A_11 = arith.mulf %mul3A_10, %integer_pow3A : vector<900x1xf32>
    %mul3A_12 = arith.mulf %mul3A_11, %sub3A : vector<900x1xf32>
    %reduce_sum3A = vector.shape_cast %mul3A_12 : vector<900x1xf32> to vector<1x900x1xf32>
    %reduce_sum3A_13 = arith.constant dense<0.000000e+00> : vector<1xf32>
    %reduce_sum3A_14 = vector.multi_reduction <add>, %reduce_sum3A, %reduce_sum3A_13 [1, 2] : vector<1x900x1xf32> to vector<1xf32>
    %reduce_sum3A_15 = vector.shape_cast %reduce_sum3A_14 : vector<1xf32> to vector<1x1x1xf32>
    %reduce_sum3A_16 = vector.extract %reduce_sum3A_15[0, 0, 0] : f32 from vector<1x1x1xf32>
    %get3A_17 = arith.index_cast %arg0 : i32 to index
    %get3A_18 = arith.constant 0 : index
    %get3A_19 = vector.load %arg5[%get3A_17, %get3A_18] : memref<32x50xi32, #tpu.memory_space<vmem>>, vector<1x50xi32>
    %get3A_20 = arith.index_cast %arg0 : i32 to index
    %get3A_21 = arith.constant 0 : index
    %get3A_22 = vector.load %arg6[%get3A_20, %get3A_21] : memref<32x50xi32, #tpu.memory_space<vmem>>, vector<1x50xi32>
    %get3A_23 = arith.index_cast %arg0 : i32 to index
    %get3A_24 = arith.constant 0 : index
    %get3A_25 = vector.load %arg3[%get3A_23, %get3A_24] : memref<32x50xi32, #tpu.memory_space<vmem>>, vector<1x50xi32>
    %convert_element_type3A = arith.sitofp %get3A_25 : vector<1x50xi32> to vector<1x50xf32>
    %get3A_26 = arith.index_cast %arg0 : i32 to index
    %get3A_27 = arith.constant 0 : index
    %get3A_28 = vector.load %arg4[%get3A_26, %get3A_27] : memref<32x50xi32, #tpu.memory_space<vmem>>, vector<1x50xi32>
    %convert_element_type3A_29 = arith.sitofp %get3A_28 : vector<1x50xi32> to vector<1x50xf32>
    %get3A_30 = arith.index_cast %arg0 : i32 to index
    %get3A_31 = arith.constant 0 : index
    %get3A_32 = vector.load %arg2[%get3A_30, %get3A_31] : memref<32x900xf32, #tpu.memory_space<vmem>>, vector<1x900xf32>
    %iota3A = tpu.iota {dimensions = array<i32: 0>} : vector<50x50xi32>
    %eq3A = vector.broadcast %get3A_22 : vector<1x50xi32> to vector<50x50xi32>
    %eq3A_33 = arith.cmpi eq, %iota3A, %eq3A : vector<50x50xi32>
    %convert_element_type3A_34 = arith.extui %eq3A_33 : vector<50x50xi1> to vector<50x50xi32>
    %convert_element_type3A_35 = arith.sitofp %convert_element_type3A_34 : vector<50x50xi32> to vector<50x50xf32>
    %dot_general3A_36 = arith.constant dense<0.000000e+00> : vector<1x50xf32>
    %dot_general3A_37 = tpu.matmul %convert_element_type3A, %convert_element_type3A_35, %dot_general3A_36 {dimension_numbers = #tpu.dot_dimension_numbers<[1], [0], [0], [1], [0, 0, 1, 1], [], []>, transpose_lhs_hint = false} : vector<1x50xf32>, vector<50x50xf32>, vector<1x50xf32> -> vector<1x50xf32>
    %dot_general3A_38 = arith.constant dense<0.000000e+00> : vector<1x50xf32>
    %dot_general3A_39 = tpu.matmul %convert_element_type3A_29, %convert_element_type3A_35, %dot_general3A_38 {dimension_numbers = #tpu.dot_dimension_numbers<[1], [0], [0], [1], [0, 0, 1, 1], [], []>, transpose_lhs_hint = false} : vector<1x50xf32>, vector<50x50xf32>, vector<1x50xf32> -> vector<1x50xf32>
    %iota3A_40 = tpu.iota {dimensions = array<i32: 0>} : vector<900x50xi32>
    %eq3A_41 = vector.broadcast %get3A_19 : vector<1x50xi32> to vector<900x50xi32>
    %eq3A_42 = arith.cmpi eq, %iota3A_40, %eq3A_41 : vector<900x50xi32>
    %convert_element_type3A_43 = arith.extui %eq3A_42 : vector<900x50xi1> to vector<900x50xi32>
    %convert_element_type3A_44 = arith.sitofp %convert_element_type3A_43 : vector<900x50xi32> to vector<900x50xf32>
    %iota3A_45 = tpu.iota {dimensions = array<i32: 0>} : vector<256x50xi32>
    %convert_element_type3A_46 = arith.fptosi %dot_general3A_37 : vector<1x50xf32> to vector<1x50xi32>
    %eq3A_47 = vector.broadcast %convert_element_type3A_46 : vector<1x50xi32> to vector<256x50xi32>
    %eq3A_48 = arith.cmpi eq, %iota3A_45, %eq3A_47 : vector<256x50xi32>
    %convert_element_type3A_49 = arith.extui %eq3A_48 : vector<256x50xi1> to vector<256x50xi32>
    %convert_element_type3A_50 = arith.sitofp %convert_element_type3A_49 : vector<256x50xi32> to vector<256x50xf32>
    %dot_general3A_51 = arith.constant dense<0.000000e+00> : vector<900x50xf32>
    %dot_general3A_52 = tpu.matmul %get3A_3, %convert_element_type3A_50, %dot_general3A_51 {dimension_numbers = #tpu.dot_dimension_numbers<[1], [0], [0], [1], [0, 0, 1, 1], [], []>, transpose_lhs_hint = false} : vector<900x256xf32>, vector<256x50xf32>, vector<900x50xf32> -> vector<900x50xf32>
    %mul3A_53 = arith.mulf %convert_element_type3A_44, %dot_general3A_52 : vector<900x50xf32>
    %reduce_sum3A_54 = arith.constant dense<0.000000e+00> : vector<50xf32>
    %reduce_sum3A_55 = vector.multi_reduction <add>, %mul3A_53, %reduce_sum3A_54 [0] : vector<900x50xf32> to vector<50xf32>
    %broadcast_in_dim3A_56 = vector.shape_cast %reduce_sum3A_55 : vector<50xf32> to vector<1x50xf32>
    %mul3A_57 = vector.broadcast %slice3A : vector<900x1xf32> to vector<900x50xf32>
    %mul3A_58 = arith.mulf %convert_element_type3A_44, %mul3A_57 : vector<900x50xf32>
    %reduce_sum3A_59 = arith.constant dense<0.000000e+00> : vector<50xf32>
    %reduce_sum3A_60 = vector.multi_reduction <add>, %mul3A_58, %reduce_sum3A_59 [0] : vector<900x50xf32> to vector<50xf32>
    %broadcast_in_dim3A_61 = vector.shape_cast %reduce_sum3A_60 : vector<50xf32> to vector<1x50xf32>
    %mul3A_62 = vector.broadcast %dot_general3A_5 : vector<900x1xf32> to vector<900x50xf32>
    %mul3A_63 = arith.mulf %convert_element_type3A_44, %mul3A_62 : vector<900x50xf32>
    %reduce_sum3A_64 = arith.constant dense<0.000000e+00> : vector<50xf32>
    %reduce_sum3A_65 = vector.multi_reduction <add>, %mul3A_63, %reduce_sum3A_64 [0] : vector<900x50xf32> to vector<50xf32>
    %broadcast_in_dim3A_66 = vector.shape_cast %reduce_sum3A_65 : vector<50xf32> to vector<1x50xf32>
    %log3A_67 = math.log %broadcast_in_dim3A_66 : vector<1x50xf32>
    %slice3A_68 = vector.extract_strided_slice %get3A_19 {offsets = [0, 1], sizes = [1, 49], strides = [1, 1]} : vector<1x50xi32> to vector<1x49xi32>
    %slice3A_69 = vector.extract_strided_slice %get3A_19 {offsets = [0, 0], sizes = [1, 49], strides = [1, 1]} : vector<1x50xi32> to vector<1x49xi32>
    %ne3A = arith.cmpi ne, %slice3A_68, %slice3A_69 : vector<1x49xi32>
    %convert_element_type3A_70 = arith.extui %ne3A : vector<1x49xi1> to vector<1x49xi32>
    %convert_element_type3A_71 = arith.sitofp %convert_element_type3A_70 : vector<1x49xi32> to vector<1x49xf32>
    %broadcast_in_dim3A_72 = arith.constant 1.000000e+00 : f32
    %broadcast_in_dim3A_73 = vector.broadcast %broadcast_in_dim3A_72 : f32 to vector<1x1xf32>
    %concatenate3A = tpu.concatenate %convert_element_type3A_71, %broadcast_in_dim3A_73 in 1 : vector<1x49xf32>, vector<1x1xf32> -> vector<1x50xf32>
    %sub3A_74 = arith.subf %broadcast_in_dim3A_56, %log3A_67 : vector<1x50xf32>
    %exp3A_75 = math.exp %sub3A_74 : vector<1x50xf32>
    %sub3A_76 = arith.constant 1.000000e+00 : f32
    %sub3A_77 = vector.broadcast %sub3A_76 : f32 to vector<1x50xf32>
    %sub3A_78 = arith.subf %sub3A_77, %exp3A_75 : vector<1x50xf32>
    %integer_pow3A_79 = arith.mulf %sub3A_78, %sub3A_78 : vector<1x50xf32>
    %mul3A_80 = arith.constant -2.500000e-01 : f32
    %mul3A_81 = vector.broadcast %mul3A_80 : f32 to vector<1x50xf32>
    %mul3A_82 = arith.mulf %mul3A_81, %integer_pow3A_79 : vector<1x50xf32>
    %mul3A_83 = arith.mulf %mul3A_82, %sub3A_74 : vector<1x50xf32>
    %sub3A_84 = arith.subf %broadcast_in_dim3A_61, %log3A_67 : vector<1x50xf32>
    %exp3A_85 = math.exp %sub3A_84 : vector<1x50xf32>
    %sub3A_86 = arith.constant 1.000000e+00 : f32
    %sub3A_87 = vector.broadcast %sub3A_86 : f32 to vector<1x50xf32>
    %sub3A_88 = arith.subf %sub3A_87, %exp3A_85 : vector<1x50xf32>
    %integer_pow3A_89 = arith.mulf %sub3A_88, %sub3A_88 : vector<1x50xf32>
    %mul3A_90 = arith.constant -2.500000e-01 : f32
    %mul3A_91 = vector.broadcast %mul3A_90 : f32 to vector<1x50xf32>
    %mul3A_92 = arith.mulf %mul3A_91, %integer_pow3A_89 : vector<1x50xf32>
    %mul3A_93 = arith.mulf %mul3A_92, %sub3A_84 : vector<1x50xf32>
    %sub3A_94 = arith.subf %mul3A_83, %mul3A_93 : vector<1x50xf32>
    %mul3A_95 = arith.mulf %concatenate3A, %sub3A_94 : vector<1x50xf32>
    %reduce_sum3A_96 = vector.shape_cast %mul3A_95 : vector<1x50xf32> to vector<1x1x50xf32>
    %reduce_sum3A_97 = arith.constant dense<0.000000e+00> : vector<1xf32>
    %reduce_sum3A_98 = vector.multi_reduction <add>, %reduce_sum3A_96, %reduce_sum3A_97 [1, 2] : vector<1x1x50xf32> to vector<1xf32>
    %reduce_sum3A_99 = vector.shape_cast %reduce_sum3A_98 : vector<1xf32> to vector<1x1x1xf32>
    %reduce_sum3A_100 = vector.extract %reduce_sum3A_99[0, 0, 0] : f32 from vector<1x1x1xf32>
    %dot_general3A_101 = arith.constant dense<0.000000e+00> : vector<1x50xf32>
    %dot_general3A_102 = tpu.matmul %get3A_32, %convert_element_type3A_44, %dot_general3A_101 {dimension_numbers = #tpu.dot_dimension_numbers<[1], [0], [0], [1], [0, 0, 1, 1], [], []>, transpose_lhs_hint = false} : vector<1x900xf32>, vector<900x50xf32>, vector<1x50xf32> -> vector<1x50xf32>
    %mul3A_103 = arith.constant 1.000000e+01 : f32
    %mul3A_104 = vector.broadcast %mul3A_103 : f32 to vector<1x50xf32>
    %mul3A_105 = arith.mulf %mul3A_104, %dot_general3A_39 : vector<1x50xf32>
    %min3A = arith.constant 0.000000e+00 : f32
    %min3A_106 = vector.broadcast %min3A : f32 to vector<1x50xf32>
    %min3A_107 = arith.minimumf %dot_general3A_102, %min3A_106 : vector<1x50xf32>
    %abs3A = math.absf %dot_general3A_102 : vector<1x50xf32>
    %neg3A = arith.constant 0.000000e+00 : f32
    %neg3A_108 = vector.broadcast %neg3A : f32 to vector<1x50xf32>
    %neg3A_109 = arith.subf %neg3A_108, %abs3A : vector<1x50xf32>
    %exp3A_110 = math.exp %neg3A_109 : vector<1x50xf32>
    %log1p3A = math.log1p %exp3A_110 : vector<1x50xf32>
    %sub3A_111 = arith.subf %min3A_107, %log1p3A : vector<1x50xf32>
    %mul3A_112 = arith.mulf %mul3A_105, %sub3A_111 : vector<1x50xf32>
    %sub3A_113 = arith.constant 1.000000e+00 : f32
    %sub3A_114 = vector.broadcast %sub3A_113 : f32 to vector<1x50xf32>
    %sub3A_115 = arith.subf %sub3A_114, %dot_general3A_39 : vector<1x50xf32>
    %neg3A_116 = arith.constant 0.000000e+00 : f32
    %neg3A_117 = vector.broadcast %neg3A_116 : f32 to vector<1x50xf32>
    %neg3A_118 = arith.subf %neg3A_117, %dot_general3A_102 : vector<1x50xf32>
    %min3A_119 = arith.constant 0.000000e+00 : f32
    %min3A_120 = vector.broadcast %min3A_119 : f32 to vector<1x50xf32>
    %min3A_121 = arith.minimumf %neg3A_118, %min3A_120 : vector<1x50xf32>
    %abs3A_122 = math.absf %neg3A_118 : vector<1x50xf32>
    %neg3A_123 = arith.constant 0.000000e+00 : f32
    %neg3A_124 = vector.broadcast %neg3A_123 : f32 to vector<1x50xf32>
    %neg3A_125 = arith.subf %neg3A_124, %abs3A_122 : vector<1x50xf32>
    %exp3A_126 = math.exp %neg3A_125 : vector<1x50xf32>
    %log1p3A_127 = math.log1p %exp3A_126 : vector<1x50xf32>
    %sub3A_128 = arith.subf %min3A_121, %log1p3A_127 : vector<1x50xf32>
    %mul3A_129 = arith.mulf %sub3A_115, %sub3A_128 : vector<1x50xf32>
    %add3A = arith.addf %mul3A_112, %mul3A_129 : vector<1x50xf32>
    %neg3A_130 = arith.constant 0.000000e+00 : f32
    %neg3A_131 = vector.broadcast %neg3A_130 : f32 to vector<1x50xf32>
    %neg3A_132 = arith.subf %neg3A_131, %add3A : vector<1x50xf32>
    %reduce_sum3A_133 = vector.shape_cast %neg3A_132 : vector<1x50xf32> to vector<1x1x50xf32>
    %reduce_sum3A_134 = arith.constant dense<0.000000e+00> : vector<1xf32>
    %reduce_sum3A_135 = vector.multi_reduction <add>, %reduce_sum3A_133, %reduce_sum3A_134 [1, 2] : vector<1x1x50xf32> to vector<1xf32>
    %reduce_sum3A_136 = vector.shape_cast %reduce_sum3A_135 : vector<1xf32> to vector<1x1x1xf32>
    %reduce_sum3A_137 = vector.extract %reduce_sum3A_136[0, 0, 0] : f32 from vector<1x1x1xf32>
    %add3A_138 = arith.addf %reduce_sum3A_16, %reduce_sum3A_100 : f32
    %div3A = arith.constant 2.880000e+04 : f32
    %div3A_139 = arith.divf %add3A_138, %div3A : f32
    %mul3A_140 = arith.constant 2.000000e+00 : f32
    %mul3A_141 = arith.mulf %mul3A_140, %reduce_sum3A_137 : f32
    %div3A_142 = arith.constant 1.600000e+03 : f32
    %div3A_143 = arith.divf %mul3A_141, %div3A_142 : f32
    %add3A_144 = arith.addf %div3A_139, %div3A_143 : f32
    %reshape3A = vector.broadcast %add3A_144 : f32 to vector<1x1xf32>
    %eq3A_145 = arith.constant 0 : i32
    %eq3A_146 = arith.cmpi eq, %arg0, %eq3A_145 : i32
    %convert_element_type3A_147 = arith.extui %eq3A_146 : i1 to i32
    %cond3A = arith.constant 0 : i32
    %cond3A_148 = arith.cmpi ne, %convert_element_type3A_147, %cond3A : i32
    scf.if %cond3A_148 {
      %swap3A = arith.constant 0 : index
      %swap3A_154 = arith.constant 0 : index
      %swap3A_155 = vector.load %arg7[%swap3A, %swap3A_154] : memref<1x1xf32, #tpu.memory_space<vmem>>, vector<1x1xf32>
      tpu.vector_store %arg7[%swap3A, %swap3A_154], %reshape3A {strides = array<i32>} : memref<1x1xf32, #tpu.memory_space<vmem>>, vector<1x1xf32>,
    } else {
    }
    %ne3A_149 = arith.constant 0 : i32
    %ne3A_150 = arith.cmpi ne, %arg0, %ne3A_149 : i32
    %convert_element_type3A_151 = arith.extui %ne3A_150 : i1 to i32
    %cond3A_152 = arith.constant 0 : i32
    %cond3A_153 = arith.cmpi ne, %convert_element_type3A_151, %cond3A_152 : i32
    scf.if %cond3A_153 {
      %get3A_154 = arith.constant 0 : index
      %get3A_155 = arith.constant 0 : index
      %get3A_156 = vector.load %arg7[%get3A_154, %get3A_155] : memref<1x1xf32, #tpu.memory_space<vmem>>, vector<1x1xf32>
      %add3A_157 = arith.addf %get3A_156, %reshape3A : vector<1x1xf32>
      %swap3A = arith.constant 0 : index
      %swap3A_158 = arith.constant 0 : index
      %swap3A_159 = vector.load %arg7[%swap3A, %swap3A_158] : memref<1x1xf32, #tpu.memory_space<vmem>>, vector<1x1xf32>
      tpu.vector_store %arg7[%swap3A, %swap3A_158], %add3A_157 {strides = array<i32>} : memref<1x1xf32, #tpu.memory_space<vmem>>, vector<1x1xf32>,
    } else {
    }
    return
  }
  func.func @transform_0(%arg0: i32) -> (i32, i32, i32) {
    %c0_i32 = arith.constant 0 : i32
    %c0_i32_0 = arith.constant 0 : i32
    %c0_i32_1 = arith.constant 0 : i32
    return %arg0, %c0_i32, %c0_i32_0 : i32, i32, i32
  }
  func.func @transform_1(%arg0: i32) -> (i32, i32) {
    %c0_i32 = arith.constant 0 : i32
    %c0_i32_0 = arith.constant 0 : i32
    %c0_i32_1 = arith.constant 0 : i32
    return %c0_i32, %c0_i32_0 : i32, i32
  }
  func.func @transform_2(%arg0: i32) -> (i32, i32) {
    %c0_i32 = arith.constant 0 : i32
    %c0_i32_0 = arith.constant 0 : i32
    %c0_i32_1 = arith.constant 0 : i32
    return %c0_i32, %c0_i32_0 : i32, i32
  }
  func.func @transform_3(%arg0: i32) -> (i32, i32) {
    %c0_i32 = arith.constant 0 : i32
    %c0_i32_0 = arith.constant 0 : i32
    %c0_i32_1 = arith.constant 0 : i32
    return %c0_i32, %c0_i32_0 : i32, i32
  }
  func.func @transform_4(%arg0: i32) -> (i32, i32) {
    %c0_i32 = arith.constant 0 : i32
    %c0_i32_0 = arith.constant 0 : i32
    %c0_i32_1 = arith.constant 0 : i32
    return %c0_i32, %c0_i32_0 : i32, i32
  }
  func.func @transform_5(%arg0: i32) -> (i32, i32) {
    %c0_i32 = arith.constant 0 : i32
    %c0_i32_0 = arith.constant 0 : i32
    %c0_i32_1 = arith.constant 0 : i32
    return %c0_i32, %c0_i32_0 : i32, i32
  }
  func.func @transform_6(%arg0: i32) -> (i32, i32) {
    %c0_i32 = arith.constant 0 : i32
    %c0_i32_0 = arith.constant 0 : i32
    %c0_i32_1 = arith.constant 0 : i32
    return %c0_i32, %c0_i32_0 : i32, i32
  }
}

</mosaic_0001>

<sc_bundles>
// kernel: kernel.4.cloned.1.call-start
scs
__scs_entry_jumppad:
0x0: {  	(pc) =	sbr.rel $0x88, $3  }
0x1: {  	(tag) =	ssettag $0x0;
	lr =	simm.s32 $0x1  }
0x2: {  	[smem:$0x3F99] =	sst lr;
	_ =	strace $0xD0000000  }
0x3: {  	_ = 	snop  }
0x4: {  	_ = 	snop  }
0x5: {  	_ = 	snop  }
0x6: {  	_ = 	snop  }
0x7: {  	_ = 	snop  }
__scs_overlays_trampoline_lowered:
0x8: {  	[smem:$0x3FA8] =	sst s0  }
0x9: {  	[smem:$0x3FA9] =	sst s1  }
0xa: {  	[smem:$0x3FAA] =	sst s2  }
0xb: {  	[smem:$0x3FAB] =	sst s3  }
0xc: {  	[smem:$0x3FAC] =	sst s4  }
0xd: {  	[smem:$0x3FAD] =	sst s5  }
0xe: {  	[smem:$0x3FAE] =	sst s6  }
0xf: {  	[smem:$0x3FAF] =	sst s7  }
0x10: {  	[smem:$0x3FB0] =	sst s8  }
0x11: {  	[smem:$0x3FB1] =	sst s9;
	s0 =	simm.s32 @!p0 $0x0  }
0x12: {  	s1 =	sld [smem:$0x3F97];
	s0 =	simm.s32 @p0 $0x1  }
0x13: {  	[smem:$0x3FB2] =	sst s0;
	s0 =	simm.s32 @!p1 $0x0  }
0x14: {  	s2 =	sld [smem:$0x3F96];
	s0 =	simm.s32 @p1 $0x1  }
0x15: {  	[smem:$0x3FB3] =	sst s0;
	s0 =	simm.s32 @!p2 $0x0  }
0x16: {  	s3 =	sld [smem:$0x3FDB];
	s0 =	simm.s32 @p2 $0x1  }
0x17: {  	s4 =	simm.s32 $0x1BF5;
	[smem:$0x3FB5] =	sst s0  }
0x18: {  	s0 =	sld [smem:$0x3F98];
	_ =	swait.ge [sflag:s4], $0x0  }
0x19: {  	s7 =	sld [smem:$0x3F99]  }
0x1a: {  	s8 =	sadd.s32 $0xFFFFE003, lr  }
0x1b: {  	s9 =	sadd.s32 $0xFFFFFEF7, lr;
	s5 =	simm.s32 $0xFFFFFFFF;
	p2 =	slt.u32 s8, $0xFFFFF086  }
0x1c: {  	p1 =	slt.u32 s9, $0xF7A;
	s5 =	simm.s32 @!p2 $0x0  }
0x1d: {  	s5 =	simm.s32 @p1 $0x1;
	p0 =	seq.s32 s7, s2  }
0x1e: {  	s7 =	smul.u32 @!p0 $0xF7A, s2;
	p2 =	seq.s32 @!p0 s5, $0x0  }
0x1f: {  	s9 =	smul.u32 $0xF7A, s1;
	s8 =	simm.s32 @!p0 $0x1BF5;
	p2 =	por !p2, p0  }
0x20: {  	[sflag:s8] =	ssyncset.s32 @!p0 $0xFFFFF086;
	s6 =	sadd.s32 @!p0 s3, s7;
	s7 =	simm.s32 @!p0 $0x108  }
0x21: {  	s3 =	sadd.s32 s3, s9;
	s6 =	sadd.s32 @!p0 $0x88, s6;
	s7 =	simm.s32 @p2 $0x1082  }
0x22: {  	[simem:s7], [sflag:s8] =	dma.local @!p0 [hbm:s6], $0xF7A  }
0x23: {  	s9 =	sor.u32 $0xD0000000, s2;
	s6 =	simm.s32 $0x108;
	_ =	swait.ge @!p0 [sflag:s8], $0x0  }
0x24: {  	s3 =	sadd.s32 $0x88, s3;
	s6 =	simm.s32 @!p1 $0x1082;
	[sflag:s4] =	ssyncset.s32 $0xFFFFF086  }
0x25: {  	[simem:s6], [sflag:s4] =	dma.local [hbm:s3], $0xF7A  }
0x26: {  	[smem:$0x3F99] =	sst s1;
	(tag) =	ssettag s2;
	_ =	strace s9  }
0x27: {  	s1 =	sld [smem:$0x3FA9]  }
0x28: {  	s2 =	sld [smem:$0x3FAA]  }
0x29: {  	s4 =	sld [smem:$0x3FAC]  }
0x2a: {  	p0 =	seq.s32 s5, $0x0;
	s5 =	sld [smem:$0x3FAD]  }
0x2b: {  	s6 =	sld [smem:$0x3FAE]  }
0x2c: {  	s7 =	sld [smem:$0x3FAF]  }
0x2d: {  	s3 =	simm.s32 $0x108;
	s8 =	sld [smem:$0x3FB0]  }
0x2e: {  	s3 =	simm.s32 @!p0 $0x1082;
	s9 =	sld [smem:$0x3FB1]  }
0x2f: {  	lr =	sadd.s32 s0, s3;
	s0 =	sld [smem:$0x3FA8]  }
0x30: {  	s3 =	sld [smem:$0x3FAB]  }
0x31: {  	[smem:$0x3FB4] =	sst s10  }
0x32: {  	s10 =	sld [smem:$0x3FB2];
	_ =	sdelay $0x3  }
0x33: {  	p0 =	seq.s32 s10, $0x1;
	s10 =	sld [smem:$0x3FB4];
	_ =	sdelay $0x3  }
0x34: {  	[smem:$0x3FB4] =	sst s10  }
0x35: {  	s10 =	sld [smem:$0x3FB3];
	_ =	sdelay $0x3  }
0x36: {  	p1 =	seq.s32 s10, $0x1;
	s10 =	sld [smem:$0x3FB4];
	_ =	sdelay $0x3  }
0x37: {  	[smem:$0x3FB4] =	sst s10  }
0x38: {  	s10 =	sld [smem:$0x3FB5]  }
0x39: {  	_ = 	snop;
	(pc) =	sbr.ind lr, $3  }
0x3a: {  	_ = 	snop  }
0x3b: {  	_ = 	snop  }
0x3c: {  	p2 =	seq.s32 s10, $0x1;
	s10 =	sld [smem:$0x3FB4]  }
0x3d: {  	_ =	shalt  }
0x3e: {  	_ =	shalt  }
0x3f: {  	_ =	shalt  }
0x40: {  	_ =	shalt  }
0x41: {  	_ =	shalt  }
0x42: {  	_ =	shalt  }
0x43: {  	_ =	shalt  }
0x44: {  	_ =	shalt  }
0x45: {  	_ =	shalt  }
0x46: {  	_ =	shalt  }
0x47: {  	_ =	shalt  }
0x48: {  	_ =	shalt  }
0x49: {  	_ =	shalt  }
0x4a: {  	_ =	shalt  }
0x4b: {  	_ =	shalt  }
0x4c: {  	_ =	shalt  }
0x4d: {  	_ =	shalt  }
0x4e: {  	_ =	shalt  }
0x4f: {  	_ =	shalt  }
0x50: {  	_ =	shalt  }
0x51: {  	_ =	shalt  }
0x52: {  	_ =	shalt  }
0x53: {  	_ =	shalt  }
0x54: {  	_ =	shalt  }
0x55: {  	_ =	shalt  }
0x56: {  	_ =	shalt  }
0x57: {  	_ =	shalt  }
0x58: {  	_ =	shalt  }
0x59: {  	_ =	shalt  }
0x5a: {  	_ =	shalt  }
0x5b: {  	_ =	shalt  }
0x5c: {  	_ =	shalt  }
0x5d: {  	_ =	shalt  }
0x5e: {  	_ =	shalt  }
0x5f: {  	_ =	shalt  }
0x60: {  	_ =	shalt  }
0x61: {  	_ =	shalt  }
0x62: {  	_ =	shalt  }
0x63: {  	_ =	shalt  }
0x64: {  	_ =	shalt  }
0x65: {  	_ =	shalt  }
0x66: {  	_ =	shalt  }
0x67: {  	_ =	shalt  }
0x68: {  	_ =	shalt  }
0x69: {  	_ =	shalt  }
0x6a: {  	_ =	shalt  }
0x6b: {  	_ =	shalt  }
0x6c: {  	_ =	shalt  }
0x6d: {  	_ =	shalt  }
0x6e: {  	_ =	shalt  }
0x6f: {  	_ =	shalt  }
0x70: {  	_ =	shalt  }
0x71: {  	_ =	shalt  }
0x72: {  	_ =	shalt  }
0x73: {  	_ =	shalt  }
0x74: {  	_ =	shalt  }
0x75: {  	_ =	shalt  }
0x76: {  	_ =	shalt  }
0x77: {  	_ =	shalt  }
0x78: {  	_ =	shalt  }
0x79: {  	_ =	shalt  }
0x7a: {  	_ =	shalt  }
0x7b: {  	_ =	shalt  }
0x7c: {  	_ =	shalt  }
0x7d: {  	_ =	shalt  }
0x7e: {  	_ =	shalt  }
0x7f: {  	_ =	shalt  }
0x80: {  	_ =	shalt  }
0x81: {  	_ =	shalt  }
0x82: {  	_ =	shalt  }
0x83: {  	_ =	shalt  }
0x84: {  	_ =	shalt  }
0x85: {  	_ =	shalt  }
0x86: {  	_ =	shalt  }
0x87: {  	_ =	shalt  }
.Lfunc_end0:
.L_simem_size_0:
called_computation_lowered:
.L_overlay_start_0:
0x88: {  	s0 =	sld [smem:$0x3FD9]  }
0x89: {  	s1 =	sld [smem:$0x3FFE];
	_ =	sdelay $0x3  }
0x8a: {  	s0 =	sadd.s32 s1, s0  }
0x8b: {  	[smem:$0x3FC0] =	sst s0  }
0x8c: {  	_ = 	snop  }
0x8d: {  	(tm) =	ssettm $0x1  }
0x8e: {  	s15 =	sld [smem:$0x3FFB];
	_ =	sdelay $0x3  }
0x8f: {  	_ =	strace s15  }
0x90: {  	s0 =	sld [smem:$0x3FFC];
	_ =	sdelay $0x3  }
0x91: {  	_ =	strace s0  }
0x92: {  	s0 =	sld [smem:$0x3FFD];
	_ =	sdelay $0x3  }
0x93: {  	_ =	strace s0  }
0x94: {  	_ =	strace $0x8FFFFFFF  }
0x95: {  	s16 =	sld [smem:$0x3FDB];
	_ =	sdelay $0x1  }
0x96: {  	s17 =	simm.s32 $_scs_section_size  }
0x97: {  	s2 =	simm.s32 $_size__tile_overlayer_lowered;
	s3 =	simm.s32 $_tile_overlayer_lowered  }
0x98: {  	s20 =	simm.s32 $0x1BFF;
	s19 =	sshll.u32 s3, $0x1;
	s0 =	sadd.s32 s17, s16  }
0x99: {  	s4 =	simm.s32 $0x0;
	s18 =	sshll.u32 s2, $0x1;
	s2 =	sadd.s32 s19, s0  }
0x9a: {  	[timem:s4], [sflag:s20] =	dma.local [hbm:s2], s18  }
0x9b: {  	_ =	swait.ge [sflag:s20], s18  }
0x9c: {  	s1 =	ssub.s32 $0x0, s18;
	[sflag:s20] =	ssyncset.done $0x0  }
0x9d: {  	[sflag:s20] =	ssyncadd.s32 s1;
	_ =	sdelay $0x1  }
0x9e: {  	s21 =	simm.s32 $0x1B8B  }
0x9f: {  	_ =	swait.ge [sflag:s21], $0x1  }
0xa0: {  	[sflag:s21] =	ssyncset.done $0x0  }
0xa1: {  	s23 =	simm.s32 $0x1B8E;
	s22 =	sld [smem:$0x3FFE];
	[sflag:s21] =	ssyncadd.s32 $0xFFFFFFFF  }
0xa2: {  	s24 =	simm.s32 $execute0_lowered;
	[smem:$0x3FD2] =	sst s23  }
0xa3: {  	s2 =	sshll.u32 s24, $0x1;
	_ =	strace $0x80000046;
	[dreg:$0x1] =	wrdreg $0xFFFFFFFF  }
0xa4: {  	s25 =	simm.s32 $_size_execute0_lowered;
	s0 =	sadd.s32 s0, s2;
	[dreg:$0x0] =	wrdreg $0x0  }
0xa5: {  	s2 =	sshll.u32 s25, $0x1;
	[dreg:$0x2] =	wrdreg s0  }
0xa6: {  	[dreg:$0x3] =	wrdreg s2  }
0xa7: {  	[dreg:$0x4] =	wrdreg $0xC0  }
0xa8: {  	_ =	task [dreg:s4], $0x5FFFF  }
0xa9: {  	[dreg:$0x1] =	wrdreg $0xFFFFFFFF  }
0xaa: {  	[dreg:$0x0] =	wrdreg $0x60  }
0xab: {  	[dreg:$0x2] =	wrdreg s22  }
0xac: {  	[dreg:$0x3] =	wrdreg $0x9800  }
0xad: {  	[dreg:$0x4] =	wrdreg $0x9  }
0xae: {  	_ =	task.clear_ibuf [dreg:s4], $0x5FFFF;
	_ =	strace $0x90000046  }
0xaf: {  	s26 =	simm.s32 $0x9;
	_ =	strace $0x80000048  }
0xb0: {  	_ =	swait.ge [sflag:s26], $0x1  }
0xb1: {  	[sflag:s26] =	ssyncadd.s32 $0xFFFFFFFF  }
0xb2: {  	_ =	strace $0x90000048  }
0xb3: {  	_ =	sfence  }
0xb4: {  	s28 =	sld [smem:$0x0];
	_ =	sdelay $0x1  }
0xb5: {  	s29 =	srdreg.scid  }
0xb6: {  	s30 =	sshll.u32 s29, $0xD;
	s31 =	sshrl.u32 s29, $0x2  }
0xb7: {  	s1 =	sand.u32 $0x1, s29;
	s2 =	sand.u32 $0x4000, s30;
	s0 =	sadd.s32 s31, s28  }
0xb8: {  	s1 =	sor.u32 s2, s1;
	s0 =	sshll.u32 s0, $0x11  }
0xb9: {  	s0 =	sor.u32 s0, s1  }
0xba: {  	s0 =	sadd.s32 $0x8F2B, s0  }
0xbb: {  	[sflag:s0] =	ssyncadd.remote.s32 $0x1  }
0xbc: {  	_ =	sfence.sel $0xFFFF  }
0xbd: {  	[dreg:$0x0] =	wrdreg $0xFFFFFFFF;
	(pc) =	sbr.abs _section_cstart, $3  }
0xbe: {  	[dreg:$0x1] =	wrdreg $0xFFFFFFFF  }
0xbf: {  	_ =	task.clear_ibuf [dreg:s4], $0x2FFFF;
	_ =	strace $0x9FFFFFFF  }
0xc0: {  	(tm) =	ssettm $0x7FFFFFFF  }
0xc1: {  	_ =	shalt  }
tec
execute0_lowered:
.L_overlay_start_1:
0x0: {  	(tag) =	ssettag $0x1  }
0x1: {  	s1 =	rddreg [dreg:$0x0]  }
0x2: {  	s2 =	rddreg [dreg:$0x1];
	s6 =	simm.s32 $0x0;
	s3 =	stileid.u32  }
0x3: {  	[smem:$0x7FF] =	sst s6;
	s10 =	sadd.s32 $0x5400, s1;
	s13 =	sshll.u32 s3, $0x7  }
0x4: {  	s0 =	rddreg [dreg:$0x2];
	_ =	strace $0x80000047;
	s4 =	sadd.s32 s10, s13  }
0x5: {  	[tilespmem:s6], [sflag:$0x2] =	stream.linear.gather [hbm4b:s4+s6], $0x200, $0x38;
	[tilespmem:$0x990] =	vst v63  }
0x6: {  	s4 =	simm.s32 $0x2  }
0x7: {  	_ =	swait.ge [sflag:s4], $0x200  }
0x8: {  	s12 =	sadd.s32 $0x4C00, s1;
	[sflag:s4] =	ssyncset.done $0x0  }
0x9: {  	s8 =	simm.s32 $0x200;
	s5 =	sadd.s32 s12, s13;
	[sflag:s4] =	ssyncadd.s32 $0xFFFFFE00  }
0xa: {  	[tilespmem:s8], [sflag:$0x2] =	stream.linear.gather [hbm4b:s5+s6], $0x200, $0x38;
	[tilespmem:$0x990] =	vst v63  }
0xb: {  	_ =	swait.ge [sflag:s4], $0x200  }
0xc: {  	s9 =	simm.s32 $0x40;
	[sflag:s4] =	ssyncset.done $0x0  }
0xd: {  	s14 =	simm.s32 $0x400;
	s7 =	sadd.s32 $0xE00, s1;
	[sflag:s4] =	ssyncadd.s32 $0xFFFFFE00  }
0xe: {  	[tilespmem:s14], [sflag:$0x1] =	stream.indirect.gather [hbm4b:s7+s9], $0x1, s6, s9, $0xb8;
	[tilespmem:$0x990] =	vst v63  }
0xf: {  	s15 =	simm.s32 $0x600;
	s11 =	sadd.s32 $0x4800, s1  }
0x10: {  	[tilespmem:s15], [sflag:$0x1] =	stream.indirect.gather [hbm4b:s11+s9], $0x1, s8, s9, $0xb8;
	[tilespmem:$0x990] =	vst v63  }
0x11: {  	s16 =	simm.s32 $0x80;
	s17 =	simm.s32 $0x480  }
0x12: {  	[tilespmem:s17], [sflag:$0x1] =	stream.indirect.gather [hbm4b:s7+s9], $0x1, s16, s9, $0xb8;
	[tilespmem:$0x990] =	vst v63  }
0x13: {  	s18 =	simm.s32 $0x280;
	s19 =	simm.s32 $0x680  }
0x14: {  	[tilespmem:s19], [sflag:$0x1] =	stream.indirect.gather [hbm4b:s11+s9], $0x1, s18, s9, $0xb8;
	[tilespmem:$0x990] =	vst v63  }
0x15: {  	s20 =	simm.s32 $0x100;
	s21 =	simm.s32 $0x500  }
0x16: {  	[tilespmem:s21], [sflag:$0x1] =	stream.indirect.gather [hbm4b:s7+s9], $0x1, s20, s9, $0xb8;
	[tilespmem:$0x990] =	vst v63  }
0x17: {  	s22 =	simm.s32 $0x300;
	s23 =	simm.s32 $0x700  }
0x18: {  	[tilespmem:s23], [sflag:$0x1] =	stream.indirect.gather [hbm4b:s11+s9], $0x1, s22, s9, $0xb8;
	[tilespmem:$0x990] =	vst v63  }
0x19: {  	s24 =	simm.s32 $0x180;
	s25 =	simm.s32 $0x580  }
0x1a: {  	[tilespmem:s25], [sflag:$0x1] =	stream.indirect.gather [hbm4b:s7+s9], $0x1, s24, s9, $0xb8;
	[tilespmem:$0x990] =	vst v63  }
0x1b: {  	s26 =	simm.s32 $0x380;
	s28 =	simm.s32 $0x780;
	s31 =	simm.s32 $0x1  }
0x1c: {  	[tilespmem:s28], [sflag:$0x1] =	stream.indirect.gather [hbm4b:s11+s9], $0x1, s26, s9, $0xb8;
	[tilespmem:$0x990] =	vst v63  }
0x1d: {  	_ =	swait.ge [sflag:s31], $0x40  }
0x1e: {  	[sflag:s31] =	ssyncset.done $0x0  }
0x1f: {  	[sflag:s31] =	ssyncadd.s32 $0xFFFFFFC0  }
0x20: {  	_ =	swait.ge [sflag:s31], $0x40  }
0x21: {  	[sflag:s31] =	ssyncset.done $0x0  }
0x22: {  	[sflag:s31] =	ssyncadd.s32 $0xFFFFFFC0  }
0x23: {  	_ =	swait.ge [sflag:s31], $0x40  }
0x24: {  	[sflag:s31] =	ssyncset.done $0x0  }
0x25: {  	[sflag:s31] =	ssyncadd.s32 $0xFFFFFFC0  }
0x26: {  	_ =	swait.ge [sflag:s31], $0x40  }
0x27: {  	[sflag:s31] =	ssyncset.done $0x0  }
0x28: {  	[sflag:s31] =	ssyncadd.s32 $0xFFFFFFC0  }
0x29: {  	_ =	swait.ge [sflag:s31], $0x40  }
0x2a: {  	[sflag:s31] =	ssyncset.done $0x0  }
0x2b: {  	[sflag:s31] =	ssyncadd.s32 $0xFFFFFFC0  }
0x2c: {  	_ =	swait.ge [sflag:s31], $0x40  }
0x2d: {  	[sflag:s31] =	ssyncset.done $0x0  }
0x2e: {  	[sflag:s31] =	ssyncadd.s32 $0xFFFFFFC0  }
0x2f: {  	_ =	swait.ge [sflag:s31], $0x40  }
0x30: {  	[sflag:s31] =	ssyncset.done $0x0  }
0x31: {  	[sflag:s31] =	ssyncadd.s32 $0xFFFFFFC0  }
0x32: {  	_ =	swait.ge [sflag:s31], $0x40  }
0x33: {  	[sflag:s31] =	ssyncset.done $0x0  }
0x34: {  	[sflag:s31] =	ssyncadd.s32 $0xFFFFFFC0  }
0x35: {  	v0 =	vld [tilespmem:$0x400]  }
0x36: {  	v1 =	vld [tilespmem:$0x600]  }
0x37: {  	v2 =	vld [tilespmem:$0x480]  }
0x38: {  	v3 =	vld [tilespmem:$0x680]  }
0x39: {  	v4 =	vld [tilespmem:$0x500]  }
0x3a: {  	v5 =	vld [tilespmem:$0x700]  }
0x3b: {  	v6 =	vld [tilespmem:$0x580]  }
0x3c: {  	v7 =	vld [tilespmem:$0x780]  }
0x3d: {  	v8 =	vld [tilespmem:$0x410]  }
0x3e: {  	v9 =	vld [tilespmem:$0x610]  }
0x3f: {  	v10 =	vld [tilespmem:$0x490]  }
0x40: {  	v11 =	vld [tilespmem:$0x690]  }
0x41: {  	v12 =	vld [tilespmem:$0x510]  }
0x42: {  	v13 =	vld [tilespmem:$0x710]  }
0x43: {  	v14 =	vld [tilespmem:$0x590]  }
0x44: {  	v15 =	vld [tilespmem:$0x790]  }
0x45: {  	v16 =	vld [tilespmem:$0x420]  }
0x46: {  	v17 =	vld [tilespmem:$0x620]  }
0x47: {  	v18 =	vld [tilespmem:$0x4A0]  }
0x48: {  	v19 =	vld [tilespmem:$0x6A0]  }
0x49: {  	v20 =	vld [tilespmem:$0x520]  }
0x4a: {  	v21 =	vld [tilespmem:$0x720]  }
0x4b: {  	v22 =	vld [tilespmem:$0x5A0]  }
0x4c: {  	v23 =	vld [tilespmem:$0x7A0]  }
0x4d: {  	v24 =	vld [tilespmem:$0x430]  }
0x4e: {  	v25 =	vld [tilespmem:$0x630]  }
0x4f: {  	v26 =	vld [tilespmem:$0x4B0]  }
0x50: {  	v27 =	vld [tilespmem:$0x6B0]  }
0x51: {  	v28 =	vld [tilespmem:$0x530]  }
0x52: {  	s13 =	sor.u32 $0x40, s13;
	v29 =	vld [tilespmem:$0x730]  }
0x53: {  	s10 =	sadd.s32 s10, s13;
	v30 =	vld [tilespmem:$0x5B0]  }
0x54: {  	v31 =	vld [tilespmem:$0x7B0];
	[tilespmem:s6], [sflag:$0x2] =	stream.linear.gather [hbm4b:s10+s6], $0x200, $0x38  }
0x55: {  	_ =	swait.ge [sflag:s4], $0x200  }
0x56: {  	[sflag:s4] =	ssyncset.done $0x0  }
0x57: {  	s29 =	sadd.s32 s12, s13;
	[sflag:s4] =	ssyncadd.s32 $0xFFFFFE00  }
0x58: {  	[tilespmem:s8], [sflag:$0x2] =	stream.linear.gather [hbm4b:s29+s6], $0x200, $0x38;
	[tilespmem:$0x990] =	vst v63  }
0x59: {  	_ =	swait.ge [sflag:s4], $0x200  }
0x5a: {  	[sflag:s4] =	ssyncset.done $0x0  }
0x5b: {  	[sflag:s4] =	ssyncadd.s32 $0xFFFFFE00  }
0x5c: {  	[tilespmem:s14], [sflag:$0x1] =	stream.indirect.gather [hbm4b:s7+s9], $0x1, s6, s9, $0xb8;
	[tilespmem:$0x990] =	vst v63  }
0x5d: {  	_ = 	snop  }
0x5e: {  	[tilespmem:s15], [sflag:$0x1] =	stream.indirect.gather [hbm4b:s11+s9], $0x1, s8, s9, $0xb8;
	[tilespmem:$0x990] =	vst v63  }
0x5f: {  	_ = 	snop  }
0x60: {  	[tilespmem:s17], [sflag:$0x1] =	stream.indirect.gather [hbm4b:s7+s9], $0x1, s16, s9, $0xb8;
	[tilespmem:$0x990] =	vst v63  }
0x61: {  	_ = 	snop  }
0x62: {  	[tilespmem:s19], [sflag:$0x1] =	stream.indirect.gather [hbm4b:s11+s9], $0x1, s18, s9, $0xb8;
	[tilespmem:$0x990] =	vst v63  }
0x63: {  	_ = 	snop  }
0x64: {  	[tilespmem:s21], [sflag:$0x1] =	stream.indirect.gather [hbm4b:s7+s9], $0x1, s20, s9, $0xb8;
	[tilespmem:$0x990] =	vst v63  }
0x65: {  	_ = 	snop  }
0x66: {  	[tilespmem:s23], [sflag:$0x1] =	stream.indirect.gather [hbm4b:s11+s9], $0x1, s22, s9, $0xb8;
	[tilespmem:$0x990] =	vst v63  }
0x67: {  	_ = 	snop  }
0x68: {  	[tilespmem:s25], [sflag:$0x1] =	stream.indirect.gather [hbm4b:s7+s9], $0x1, s24, s9, $0xb8;
	[tilespmem:$0x990] =	vst v63  }
0x69: {  	_ = 	snop  }
0x6a: {  	[tilespmem:s28], [sflag:$0x1] =	stream.indirect.gather [hbm4b:s11+s9], $0x1, s26, s9, $0xb8;
	[tilespmem:$0x990] =	vst v63  }
0x6b: {  	_ =	swait.ge [sflag:s31], $0x40  }
0x6c: {  	v0 =	vsub.f32 v0, v1;
	v63 =	vsub.f32 v2, v3;
	[sflag:s31] =	ssyncset.done $0x0  }
0x6d: {  	[sflag:s31] =	ssyncadd.s32 $0xFFFFFFC0  }
0x6e: {  	v5 =	vsub.f32 v4, v5;
	v0 =	vand.u32 $0x7FFFFFFF, v0;
	v1 =	vand.u32 $0x7FFFFFFF, v63;
	_ =	swait.ge [sflag:s31], $0x40  }
0x6f: {  	v0 =	vadd.f32 v1, v0;
	[sflag:s31] =	ssyncset.done $0x0  }
0x70: {  	v7 =	vsub.f32 v6, v7;
	v2 =	vand.u32 $0x7FFFFFFF, v5;
	[sflag:s31] =	ssyncadd.s32 $0xFFFFFFC0  }
0x71: {  	v0 =	vadd.f32 v2, v0;
	_ =	swait.ge [sflag:s31], $0x40  }
0x72: {  	v9 =	vsub.f32 v8, v9;
	v1 =	vand.u32 $0x7FFFFFFF, v7;
	[sflag:s31] =	ssyncset.done $0x0  }
0x73: {  	v0 =	vadd.f32 v1, v0;
	[sflag:s31] =	ssyncadd.s32 $0xFFFFFFC0  }
0x74: {  	v11 =	vsub.f32 v10, v11;
	v2 =	vand.u32 $0x7FFFFFFF, v9;
	_ =	swait.ge [sflag:s31], $0x40  }
0x75: {  	v0 =	vadd.f32 v2, v0;
	[sflag:s31] =	ssyncset.done $0x0  }
0x76: {  	v13 =	vsub.f32 v12, v13;
	v1 =	vand.u32 $0x7FFFFFFF, v11;
	[sflag:s31] =	ssyncadd.s32 $0xFFFFFFC0  }
0x77: {  	v0 =	vadd.f32 v1, v0;
	_ =	swait.ge [sflag:s31], $0x40  }
0x78: {  	v15 =	vsub.f32 v14, v15;
	v2 =	vand.u32 $0x7FFFFFFF, v13;
	[sflag:s31] =	ssyncset.done $0x0  }
0x79: {  	v0 =	vadd.f32 v2, v0;
	[sflag:s31] =	ssyncadd.s32 $0xFFFFFFC0  }
0x7a: {  	v16 =	vsub.f32 v16, v17;
	v1 =	vand.u32 $0x7FFFFFFF, v15;
	_ =	swait.ge [sflag:s31], $0x40  }
0x7b: {  	v0 =	vadd.f32 v1, v0;
	[sflag:s31] =	ssyncset.done $0x0  }
0x7c: {  	v17 =	vsub.f32 v18, v19;
	v2 =	vand.u32 $0x7FFFFFFF, v16;
	[sflag:s31] =	ssyncadd.s32 $0xFFFFFFC0  }
0x7d: {  	v0 =	vadd.f32 v2, v0;
	_ =	swait.ge [sflag:s31], $0x40  }
0x7e: {  	v18 =	vsub.f32 v20, v21;
	v1 =	vand.u32 $0x7FFFFFFF, v17;
	[sflag:s31] =	ssyncset.done $0x0  }
0x7f: {  	v0 =	vadd.f32 v1, v0;
	[sflag:s31] =	ssyncadd.s32 $0xFFFFFFC0  }
0x80: {  	v19 =	vsub.f32 v22, v23;
	v2 =	vand.u32 $0x7FFFFFFF, v18;
	_ =	swait.ge [sflag:s31], $0x40  }
0x81: {  	v20 =	vsub.f32 v24, v25;
	v0 =	vadd.f32 v2, v0;
	[sflag:s31] =	ssyncset.done $0x0  }
0x82: {  	vm0 =	vmmov $0x3;
	v1 =	vand.u32 $0x7FFFFFFF, v19;
	[sflag:s31] =	ssyncadd.s32 $0xFFFFFFC0  }
0x83: {  	v22 =	vsub.f32 v26, v27;
	v21 =	vand.u32 $0x7FFFFFFF, v20;
	v0 =	vadd.f32 v1, v0;
	v23 =	vld [tilespmem:$0x400]  }
0x84: {  	v1 =	vnsel vm0, $0x0, v21;
	v24 =	vld [tilespmem:$0x600]  }
0x85: {  	v26 =	vsub.f32 v28, v29;
	v25 =	vand.u32 $0x7FFFFFFF, v22;
	v0 =	vadd.f32 v1, v0;
	v27 =	vld [tilespmem:$0x480]  }
0x86: {  	v1 =	vnsel vm0, $0x0, v25;
	v28 =	vld [tilespmem:$0x680]  }
0x87: {  	v31 =	vsub.f32 v30, v31;
	v29 =	vand.u32 $0x7FFFFFFF, v26;
	v0 =	vadd.f32 v1, v0;
	v32 =	vld [tilespmem:$0x500]  }
0x88: {  	v1 =	vnsel vm0, $0x0, v29;
	v33 =	vld [tilespmem:$0x700]  }
0x89: {  	v34 =	vand.u32 $0x7FFFFFFF, v31;
	v0 =	vadd.f32 v1, v0;
	v35 =	vld [tilespmem:$0x580]  }
0x8a: {  	v1 =	vnsel vm0, $0x0, v34;
	v36 =	vld [tilespmem:$0x780];
	v3 =	vsub.f32 v23, v24  }
0x8b: {  	v0 =	vadd.f32 v1, v0;
	v37 =	vld [tilespmem:$0x410]  }
0x8c: {  	v38 =	vld [tilespmem:$0x610];
	v5 =	vsub.f32 v27, v28;
	v3 =	vand.u32 $0x7FFFFFFF, v3  }
0x8d: {  	v39 =	vld [tilespmem:$0x490];
	v0 =	vadd.f32 v3, v0  }
0x8e: {  	v40 =	vld [tilespmem:$0x690];
	v7 =	vsub.f32 v32, v33;
	v5 =	vand.u32 $0x7FFFFFFF, v5  }
0x8f: {  	v41 =	vld [tilespmem:$0x510];
	v0 =	vadd.f32 v5, v0  }
0x90: {  	v42 =	vld [tilespmem:$0x710];
	v2 =	vsub.f32 v35, v36;
	v7 =	vand.u32 $0x7FFFFFFF, v7  }
0x91: {  	v43 =	vld [tilespmem:$0x590];
	v0 =	vadd.f32 v7, v0  }
0x92: {  	v44 =	vld [tilespmem:$0x790];
	v1 =	vsub.f32 v37, v38;
	v2 =	vand.u32 $0x7FFFFFFF, v2  }
0x93: {  	v45 =	vld [tilespmem:$0x420];
	v0 =	vadd.f32 v2, v0  }
0x94: {  	v46 =	vld [tilespmem:$0x620];
	v1 =	vand.u32 $0x7FFFFFFF, v1;
	v3 =	vsub.f32 v39, v40  }
0x95: {  	v47 =	vld [tilespmem:$0x4A0];
	v0 =	vadd.f32 v1, v0  }
0x96: {  	v48 =	vld [tilespmem:$0x6A0];
	v4 =	vsub.f32 v41, v42;
	v3 =	vand.u32 $0x7FFFFFFF, v3  }
0x97: {  	v49 =	vld [tilespmem:$0x520];
	v0 =	vadd.f32 v3, v0  }
0x98: {  	v50 =	vld [tilespmem:$0x720];
	v6 =	vsub.f32 v43, v44;
	v4 =	vand.u32 $0x7FFFFFFF, v4  }
0x99: {  	v51 =	vld [tilespmem:$0x5A0];
	v0 =	vadd.f32 v4, v0  }
0x9a: {  	v52 =	vld [tilespmem:$0x7A0];
	v6 =	vand.u32 $0x7FFFFFFF, v6;
	v2 =	vsub.f32 v45, v46  }
0x9b: {  	v53 =	vld [tilespmem:$0x430];
	v0 =	vadd.f32 v6, v0  }
0x9c: {  	v54 =	vld [tilespmem:$0x630];
	v2 =	vand.u32 $0x7FFFFFFF, v2;
	v1 =	vsub.f32 v47, v48  }
0x9d: {  	v55 =	vld [tilespmem:$0x4B0];
	v0 =	vadd.f32 v2, v0  }
0x9e: {  	v56 =	vld [tilespmem:$0x6B0];
	v1 =	vand.u32 $0x7FFFFFFF, v1;
	v3 =	vsub.f32 v49, v50  }
0x9f: {  	v57 =	vld [tilespmem:$0x530];
	v0 =	vadd.f32 v1, v0  }
0xa0: {  	v58 =	vld [tilespmem:$0x730];
	v3 =	vand.u32 $0x7FFFFFFF, v3;
	v4 =	vsub.f32 v51, v52  }
0xa1: {  	v60 =	vld [tilespmem:$0x5B0];
	v59 =	vsub.f32 v53, v54;
	v0 =	vadd.f32 v3, v0  }
0xa2: {  	v61 =	vld [tilespmem:$0x7B0];
	v4 =	vand.u32 $0x7FFFFFFF, v4  }
0xa3: {  	v2 =	vsub.f32 v55, v56;
	v3 =	vand.u32 $0x7FFFFFFF, v59;
	v0 =	vadd.f32 v4, v0  }
0xa4: {  	v3 =	vnsel vm0, $0x0, v3  }
0xa5: {  	v1 =	vsub.f32 v57, v58;
	v2 =	vand.u32 $0x7FFFFFFF, v2;
	v0 =	vadd.f32 v3, v0  }
0xa6: {  	v2 =	vnsel vm0, $0x0, v2  }
0xa7: {  	v62 =	vsub.f32 v60, v61;
	v1 =	vand.u32 $0x7FFFFFFF, v1;
	v0 =	vadd.f32 v2, v0  }
0xa8: {  	v1 =	vnsel vm0, $0x0, v1  }
0xa9: {  	v63 =	vand.u32 $0x7FFFFFFF, v62;
	v0 =	vadd.f32 v1, v0  }
0xaa: {  	v1 =	vnsel vm0, $0x0, v63  }
0xab: {  	v0 =	vadd.f32 v1, v0;
	_ =	sdelay $0x1  }
0xac: {  	v0 =	vmul.f32 $7.812500120e-04, v0  }
0xad: {  	s30 =	sshll.u32 s3, $0x4  }
0xae: {  	s5 =	sadd.s32 s30, s2;
	s31 =	simm.s32 $0x800;
	[tilespmem:$0x800] =	vst v0  }
0xaf: {  	[spmem:s5] =	stream.linear.scatter [tilespmem:s31], [sflag:$0x2], $0x10, $0x38;
	[tilespmem:$0x990] =	vst v63  }
0xb0: {  	_ =	swait.ge [sflag:s4], $0x10  }
0xb1: {  	[sflag:s4] =	ssyncset.done $0x0  }
0xb2: {  	[sflag:s4] =	ssyncadd.s32 $0xFFFFFFF0  }
0xb3: {  	p0 =	sne.s32 s3, $0x0;
	[bflag:$0x0] =	sbarrier.arrive $0xFFFF  }
0xb4: {  	_ =	sfence.sel @p0 $0x180000  }
0xb5: {  	[bflag:$0x0] =	sbarrier.arrive @p0 $0xFFFF  }
0xb6: {  	_ =	strace @p0 $0x90000047  }
0xb7: {  	s3 =	simm.s32 @!p0 $0x880;
	[bflag:$0x2] =	sbarrier.arrive @p0 $0xFFFF  }
0xb8: {  	[tilespmem:s3], [sflag:$0x2] =	stream.linear.gather @!p0 [spmem:s2], $0x100, $0x38;
	[tilespmem:$0x990] =	vst v63  }
0xb9: {  	s2 =	simm.s32 @!p0 $0x2  }
0xba: {  	_ =	swait.ge @!p0 [sflag:s2], $0x100  }
0xbb: {  	[sflag:s2] =	ssyncset.done @!p0 $0x0  }
0xbc: {  	[sflag:s2] =	ssyncadd.s32 @!p0 $0xFFFFFF00  }
0xbd: {  	v0 =	vld @!p0 [tilespmem:$0x880]  }
0xbe: {  	v1 =	vld @!p0 [tilespmem:$0x890];
	_ =	sdelay $0x1  }
0xbf: {  	v2 =	vld @!p0 [tilespmem:$0x8A0];
	_ =	sdelay $0x1  }
0xc0: {  	v3 =	vld @!p0 [tilespmem:$0x8B0]  }
0xc1: {  	v0 =	vadd.f32 @!p0 v1, v0  }
0xc2: {  	v1 =	vld @!p0 [tilespmem:$0x8C0]  }
0xc3: {  	v0 =	vadd.f32 @!p0 v2, v0  }
0xc4: {  	v2 =	vld @!p0 [tilespmem:$0x8D0]  }
0xc5: {  	v0 =	vadd.f32 @!p0 v3, v0  }
0xc6: {  	v3 =	vld @!p0 [tilespmem:$0x8E0]  }
0xc7: {  	v0 =	vadd.f32 @!p0 v1, v0  }
0xc8: {  	v1 =	vld @!p0 [tilespmem:$0x8F0]  }
0xc9: {  	v0 =	vadd.f32 @!p0 v2, v0  }
0xca: {  	v2 =	vld @!p0 [tilespmem:$0x900]  }
0xcb: {  	v0 =	vadd.f32 @!p0 v3, v0  }
0xcc: {  	v3 =	vld @!p0 [tilespmem:$0x910]  }
0xcd: {  	v0 =	vadd.f32 @!p0 v1, v0  }
0xce: {  	v1 =	vld @!p0 [tilespmem:$0x920]  }
0xcf: {  	v0 =	vadd.f32 @!p0 v2, v0  }
0xd0: {  	v2 =	vld @!p0 [tilespmem:$0x930]  }
0xd1: {  	v0 =	vadd.f32 @!p0 v3, v0  }
0xd2: {  	v3 =	vld @!p0 [tilespmem:$0x940]  }
0xd3: {  	v0 =	vadd.f32 @!p0 v1, v0  }
0xd4: {  	v1 =	vld @!p0 [tilespmem:$0x950]  }
0xd5: {  	v0 =	vadd.f32 @!p0 v2, v0  }
0xd6: {  	v2 =	vld @!p0 [tilespmem:$0x960]  }
0xd7: {  	v0 =	vadd.f32 @!p0 v3, v0  }
0xd8: {  	v3 =	vld @!p0 [tilespmem:$0x970]  }
0xd9: {  	v0 =	vadd.f32 @!p0 v1, v0;
	_ =	sdelay $0x1  }
0xda: {  	v0 =	vadd.f32 @!p0 v2, v0;
	_ =	sdelay $0x1  }
0xdb: {  	v0 =	vadd.f32 @!p0 v3, v0;
	_ =	sdelay $0x1  }
0xdc: {  	s1 =	sadd.s32 $0x5C00, s1;
	s4 =	simm.s32 @!p0 $0x800;
	s3 =	simm.s32 @!p0 $0x0;
	[tilespmem:$0x800] =	vst @!p0 v0  }
0xdd: {  	[hbm4b:s1+s3] =	stream.linear.scatter @!p0 [tilespmem:s4], [sflag:$0x2], $0x80, $0x38;
	[tilespmem:$0x990] =	vst v63  }
0xde: {  	_ =	swait.ge @!p0 [sflag:s2], $0x80  }
0xdf: {  	[sflag:s2] =	ssyncset.done @!p0 $0x0  }
0xe0: {  	[sflag:s2] =	ssyncadd.s32 @!p0 $0xFFFFFF80  }
0xe1: {  	_ =	sfence.sel @!p0 $0x180000  }
0xe2: {  	[bflag:$0x0] =	sbarrier.arrive @!p0 $0xFFFF  }
0xe3: {  	_ =	strace @!p0 $0x90000047  }
0xe4: {  	s0 =	sadd.s32 @!p0 $0x100000, s0;
	[bflag:$0x2] =	sbarrier.arrive @!p0 $0xFFFF  }
0xe5: {  	[sflag:s0] =	ssyncadd.tile.s32 @!p0 $0x1;
	_ =	shalt  }
.Lfunc_end2:
_tile_overlayer_lowered:
.L_overlay_start_2:
0xe6: {  	(tag) =	ssettag $0x2  }
0xe7: {  	s0 =	rddreg [dreg:$0x0];
	s2 =	stileid.u32  }
0xe8: {  	s1 =	rddreg [dreg:$0x1];
	p0 =	sne.s32 s2, $0x0  }
0xe9: {  	s3 =	rddreg [dreg:$0x2];
	[bflag:$0x3] =	sbarrier.arrive $0xFFFF;
	s2 =	simm.s32 @!p0 $0x1C02  }
0xea: {  	[timem:s3], [sflag:s2] =	dma.local @!p0 [hbm:s0], s1  }
0xeb: {  	s0 =	simm.s32 @!p0 $0x2  }
0xec: {  	_ =	swait.ge @!p0 [sflag:s0], s1  }
0xed: {  	s1 =	ssub.s32 @!p0 $0x0, s1;
	[sflag:s0] =	ssyncset.done @!p0 $0x0  }
0xee: {  	[sflag:s0] =	ssyncadd.s32 @!p0 s1  }
0xef: {  	[bflag:$0x3] =	sbarrier.arrive $0xFFFF  }
0xf0: {  	_ =	shalt  }

</sc_bundles>
